<compile_context>
chip_gen: v7x
topology: tpu7x:2x2x1
jax: 0.10.2.dev20260603
libtpu: 0.0.44.dev20260713+nightly
codegen_flags: <defaults>
</compile_context>

<pallas_src>
import functools

import jax
import jax.numpy as jnp
from jax import lax
from jax.experimental import pallas as pl
from jax.experimental.pallas import tpu as pltpu
from jax.experimental.pallas import tpu_sc as plsc

NC = 2
NS = 16
LN = 16


def _mesh():
    return plsc.VectorSubcoreMesh(core_axis_name="c", subcore_axis_name="s",
                                  num_cores=NC, num_subcores=NS)


def _make_att(E, N_pad):
    EA = E // NS
    KA = 80

    def body(attr_hbm, dst_hbm, att_hbm, e_v, dst_v, att_v, s_v, zb_v,
             idx_blk, s_shared):
        cid = lax.axis_index("c")
        sid = lax.axis_index("s")
        base = sid * EA
        pltpu.sync_copy(attr_hbm.at[pl.ds(base, EA)], e_v)
        pltpu.sync_copy(dst_hbm.at[pl.ds(base, EA)], dst_v)

        def exp_body(i, c):
            e_v[pl.ds(i * LN, LN)] = jnp.exp(e_v[pl.ds(i * LN, LN)])
            return c
        lax.fori_loop(0, EA // LN, exp_body, 0)

        rpt = N_pad // NS

        def z_body(i, c):
            zb_v[pl.ds(i * LN, LN)] = jnp.zeros((LN,), jnp.float32)
            return c
        lax.fori_loop(0, rpt // LN, z_body, 0)
        pltpu.sync_copy(zb_v, s_shared.at[pl.ds(sid * rpt, rpt)])
        plsc.subcore_barrier()

        def blk_body(b, c):
            for i in range(KA // LN):
                idx_blk[pl.ds(i * LN, LN)] = dst_v[pl.ds(b * KA + i * LN, LN)]
            pltpu.sync_copy(e_v.at[pl.ds(b * KA, KA)],
                            s_shared.at[idx_blk], add=True)
            return c
        lax.fori_loop(0, EA // KA, blk_body, 0)
        plsc.subcore_barrier()

        pltpu.sync_copy(s_shared, s_v)

        def att_body(i, c):
            idx = dst_v[pl.ds(i * LN, LN)]
            sv = plsc.load_gather(s_v, [idx])
            att_v[pl.ds(i * LN, LN)] = e_v[pl.ds(i * LN, LN)] / sv
            return c
        lax.fori_loop(0, EA // LN, att_body, 0)

        @pl.when(cid == 0)
        def _():
            pltpu.sync_copy(att_v, att_hbm.at[pl.ds(base, EA)])

    return pl.kernel(
        body,
        out_type=jax.ShapeDtypeStruct((E,), jnp.float32),
        mesh=_mesh(),
        compiler_params=pltpu.CompilerParams(needs_layout_passes=False),
        scratch_types=[
            pltpu.VMEM((EA,), jnp.float32),
            pltpu.VMEM((EA,), jnp.int32),
            pltpu.VMEM((EA,), jnp.float32),
            pltpu.VMEM((N_pad,), jnp.float32),
            pltpu.VMEM((N_pad // NS,), jnp.float32),
            pltpu.VMEM((KA,), jnp.int32),
            pltpu.VMEM_SHARED((N_pad,), jnp.float32),
        ],
    )


def _make_aggr(E, N, D, N_pad):
    ECW = E // (NC * NS)
    KC = 80

    def body(h_hbm, src_hbm, dst_hbm, att_hbm, out_hbm,
             src_v, dst_v, att_v, dst_blk, rows_v, accum):
        cid = lax.axis_index("c")
        sid = lax.axis_index("s")
        wid = sid * NC + cid
        base = wid * ECW
        rpt = N_pad // NS

        pltpu.sync_copy(src_hbm.at[pl.ds(base, ECW)], src_v)
        pltpu.sync_copy(dst_hbm.at[pl.ds(base, ECW)], dst_v)
        pltpu.sync_copy(att_hbm.at[pl.ds(base, ECW)], att_v)

        def zr_body(r, c):
            for j in range(D // LN):
                rows_v[r, pl.ds(j * LN, LN)] = jnp.zeros((LN,), jnp.float32)
            return c
        lax.fori_loop(0, KC, zr_body, 0)
        for k in range(rpt // KC):
            pltpu.sync_copy(rows_v,
                            accum.at[pl.ds(sid * rpt + k * KC, KC), :])
        plsc.subcore_barrier()

        def blk_body(b, c):
            pltpu.sync_copy(h_hbm.at[src_v.at[pl.ds(b * KC, KC)]], rows_v)
            for i in range(KC // LN):
                dst_blk[pl.ds(i * LN, LN)] = dst_v[pl.ds(b * KC + i * LN, LN)]

            def scale(e, c2):
                a = plsc.load_gather(
                    att_v, [jnp.zeros((LN,), jnp.int32) + (b * KC + e)])
                for j in range(D // LN):
                    rows_v[e, pl.ds(j * LN, LN)] = (
                        rows_v[e, pl.ds(j * LN, LN)] * a)
                return c2
            lax.fori_loop(0, KC, scale, 0)
            pltpu.sync_copy(rows_v, accum.at[dst_blk], add=True)
            return c
        lax.fori_loop(0, ECW // KC, blk_body, 0)
        plsc.subcore_barrier()

        pltpu.sync_copy(accum.at[pl.ds(sid * rpt, rpt), :],
                        out_hbm.at[cid, pl.ds(sid * rpt, rpt), :])

    return pl.kernel(
        body,
        out_type=jax.ShapeDtypeStruct((NC, N_pad, D), jnp.float32),
        mesh=_mesh(),
        compiler_params=pltpu.CompilerParams(needs_layout_passes=False),
        scratch_types=[
            pltpu.VMEM((ECW,), jnp.int32),
            pltpu.VMEM((ECW,), jnp.int32),
            pltpu.VMEM((ECW,), jnp.float32),
            pltpu.VMEM((KC,), jnp.int32),
            pltpu.VMEM((KC, D), jnp.float32),
            pltpu.VMEM_SHARED((N_pad, D), jnp.float32),
        ],
    )


_BR = 2000


def _mm_body(x_ref, w_ref, o_ref):
    o_ref[...] = lax.dot_general(
        x_ref[...], w_ref[...], (((1,), (1,)), ((), ())),
        preferred_element_type=jnp.float32)


def _matmul(x, W):
    n, d = x.shape
    return pl.pallas_call(
        _mm_body,
        grid=(n // _BR,),
        in_specs=[pl.BlockSpec((_BR, d), lambda i: (i, 0)),
                  pl.BlockSpec((d, d), lambda i: (0, 0))],
        out_specs=pl.BlockSpec((_BR, d), lambda i: (i, 0)),
        out_shape=jax.ShapeDtypeStruct((n, d), jnp.float32),
    )(x, W)


def _upd_mm_body(p_ref, h_ref, b_ref, w_ref, o_ref):
    s = jax.nn.sigmoid(p_ref[0] + p_ref[1] + h_ref[...] + b_ref[...])
    o_ref[...] = lax.dot_general(
        s, w_ref[...], (((1,), (1,)), ((), ())),
        preferred_element_type=jnp.float32)


def _upd_matmul(p, h, b, W):
    n, d = h.shape
    return pl.pallas_call(
        _upd_mm_body,
        grid=(n // _BR,),
        in_specs=[pl.BlockSpec((NC, _BR, d), lambda i: (0, i, 0)),
                  pl.BlockSpec((_BR, d), lambda i: (i, 0)),
                  pl.BlockSpec((1, d), lambda i: (0, 0)),
                  pl.BlockSpec((d, d), lambda i: (0, 0))],
        out_specs=pl.BlockSpec((_BR, d), lambda i: (i, 0)),
        out_shape=jax.ShapeDtypeStruct((n, d), jnp.float32),
    )(p, h, b, W)


def _upd_sig_body(p_ref, h_ref, b_ref, o_ref):
    o_ref[...] = jax.nn.sigmoid(p_ref[0] + p_ref[1] + h_ref[...] + b_ref[...])


def _upd_sig(p, h, b):
    n, d = h.shape
    return pl.pallas_call(
        _upd_sig_body,
        grid=(n // _BR,),
        in_specs=[pl.BlockSpec((NC, _BR, d), lambda i: (0, i, 0)),
                  pl.BlockSpec((_BR, d), lambda i: (i, 0)),
                  pl.BlockSpec((1, d), lambda i: (0, 0))],
        out_specs=pl.BlockSpec((_BR, d), lambda i: (i, 0)),
        out_shape=jax.ShapeDtypeStruct((n, d), jnp.float32),
    )(p, h, b)


def kernel(x, edge_index, edge_attr, W1, b1, W2, b2):
    N, D = x.shape
    E = edge_attr.shape[0]
    N_pad = ((N + NS * LN * 8 - 1) // (NS * LN * 8)) * (NS * LN * 8)

    src = edge_index[0]
    dst = edge_index[1]
    b1r = b1.reshape(1, D)
    b2r = b2.reshape(1, D)

    att = _make_att(E, N_pad)(edge_attr, dst)
    h1 = _matmul(x, W1)
    aggr = _make_aggr(E, N, D, N_pad)
    p1 = aggr(h1, src, dst, att)
    h2 = _upd_matmul(p1, h1, b1r, W2)
    p2 = aggr(h2, src, dst, att)
    return _upd_sig(p2, h2, b2r)

# --- scband reference (transcript-rebuilt; emitter-appended) ---
"""Pipeline reference for scband-item-item-model-15590731285238 (READ-ONLY COPY).

The authoritative reference and input builder live on the scoring server;
editing this copy changes nothing except your own understanding.
"""

import jax, jax.numpy as jnp
import numpy as np

N = 10000
E = 320000
D = 128


def segment_softmax(logits, seg, num_segments):
    m = jax.ops.segment_max(logits, seg, num_segments=num_segments)
    e = jnp.exp(logits - m[seg])
    s = jax.ops.segment_sum(e, seg, num_segments=num_segments)
    return e / (s[seg] + 1e-16)


def cgat_layer(x, src, dst, edge_attr, W, b):
    # get_edge_att: softmax-normalize edge_attr over incoming edges of each dst node
    att = segment_softmax(edge_attr, dst, x.shape[0])
    h = x @ W.T  # Linear(in, out, bias=False)
    msg = att[:, None] * h[src]  # message: edge_att * x_j
    aggr = jax.ops.segment_sum(msg, dst, num_segments=x.shape[0])  # aggr='add'
    out = aggr + h  # update: aggr_out + x
    out = out + b  # bias
    return jax.nn.sigmoid(out)


def setup_inputs(seed: int = 0) -> dict:
    key = jax.random.key(seed)
    ks = jax.random.split(key, 6)
    x = jax.random.normal(ks[0], (N, D), dtype=jnp.float32)
    edge_index = jax.random.randint(ks[1], (2, E), 0, N, dtype=jnp.int32)
    edge_attr = jax.random.normal(ks[2], (E,), dtype=jnp.float32)
    W1 = jax.random.normal(ks[3], (D, D), dtype=jnp.float32) / np.sqrt(D)
    b1 = jnp.zeros((D,), dtype=jnp.float32)
    W2 = jax.random.normal(ks[4], (D, D), dtype=jnp.float32) / np.sqrt(D)
    b2 = jnp.zeros((D,), dtype=jnp.float32)
    return {"x": x, "edge_index": edge_index, "edge_attr": edge_attr,
            "W1": W1, "b1": b1, "W2": W2, "b2": b2}


def reference(x, edge_index, edge_attr, W1, b1, W2, b2):
    src = edge_index[0]
    dst = edge_index[1]
    h1 = cgat_layer(x, src, dst, edge_attr, W1, b1)
    h2 = cgat_layer(h1, src, dst, edge_attr, W2, b2)
    return h2

if __name__ == "__main__":
    import jax
    _d = setup_inputs()
    print(jax.jit(kernel)(*tuple(_d.values())))

</pallas_src>

<mosaic_0001>
#map = affine_map<(d0, d1) -> (0)>
module attributes {stable_mosaic.version = 14 : i64} {
  func.func @body(%arg0: i32, %arg1: i32, %arg2: memref<320000xf32, #tpu.memory_space<hbm>>, %arg3: memref<320000xi32, #tpu.memory_space<hbm>>, %arg4: memref<320000xf32, #tpu.memory_space<hbm>>, %arg5: memref<20000xf32, #tpu.memory_space<vmem>>, %arg6: memref<20000xi32, #tpu.memory_space<vmem>>, %arg7: memref<20000xf32, #tpu.memory_space<vmem>>, %arg8: memref<10240xf32, #tpu.memory_space<vmem>>, %arg9: memref<640xf32, #tpu.memory_space<vmem>>, %arg10: memref<80xi32, #tpu.memory_space<vmem>>, %arg11: memref<10240xf32, #tpu.memory_space<vmem_shared>>) attributes {dimension_semantics = [#tpu.dimension_semantics<core_parallel>, #tpu.dimension_semantics<subcore_parallel>], iteration_bounds = array<i64: 2, 16>, scalar_prefetch = 0 : i64, scratch_operands = 7 : i64, tpu.core_type = #tpu.core_type<sc_vector_subcore>, window_params = [{transform_indices = #map}, {transform_indices = #map}, {transform_indices = #map}]} {
    %mul3A = arith.constant 20000 : i32
    %mul3A_0 = arith.muli %arg1, %mul3A : i32
    "tpu.region"() ({
      %run_scoped3A = tpu.sem_alloc : memref<!tpu.dma_semaphore, #tpu.memory_space<semaphore_mem>>
      %dma_start3A = tpu.memref_slice %arg2[%mul3A_0] : memref<320000xf32, #tpu.memory_space<hbm>> -> memref<20000xf32, #tpu.memory_space<hbm>>
      %dma_start3A_29 = tpu.memref_slice %arg2[%mul3A_0] : memref<320000xf32, #tpu.memory_space<hbm>> -> memref<20000xf32, #tpu.memory_space<hbm>>
      tpu.enqueue_dma source(%dma_start3A_29 : memref<20000xf32, #tpu.memory_space<hbm>>) target(%arg5 : memref<20000xf32, #tpu.memory_space<vmem>>) target_semaphore(%run_scoped3A : memref<!tpu.dma_semaphore, #tpu.memory_space<semaphore_mem>>)
      %dma_wait3A = tpu.memref_slice %arg2[%mul3A_0] : memref<320000xf32, #tpu.memory_space<hbm>> -> memref<20000xf32, #tpu.memory_space<hbm>>
      %dma_wait3A_30 = tpu.memref_slice %arg2[%mul3A_0] : memref<320000xf32, #tpu.memory_space<hbm>> -> memref<20000xf32, #tpu.memory_space<hbm>>
      tpu.wait_dma2 semaphore(%run_scoped3A : memref<!tpu.dma_semaphore, #tpu.memory_space<semaphore_mem>>) src(%dma_wait3A_30 : memref<20000xf32, #tpu.memory_space<hbm>>) dst(%arg5 : memref<20000xf32, #tpu.memory_space<vmem>>)
      tpu.yield
    }) : () -> ()
    "tpu.region"() ({
      %run_scoped3A = tpu.sem_alloc : memref<!tpu.dma_semaphore, #tpu.memory_space<semaphore_mem>>
      %dma_start3A = tpu.memref_slice %arg3[%mul3A_0] : memref<320000xi32, #tpu.memory_space<hbm>> -> memref<20000xi32, #tpu.memory_space<hbm>>
      %dma_start3A_29 = tpu.memref_slice %arg3[%mul3A_0] : memref<320000xi32, #tpu.memory_space<hbm>> -> memref<20000xi32, #tpu.memory_space<hbm>>
      tpu.enqueue_dma source(%dma_start3A_29 : memref<20000xi32, #tpu.memory_space<hbm>>) target(%arg6 : memref<20000xi32, #tpu.memory_space<vmem>>) target_semaphore(%run_scoped3A : memref<!tpu.dma_semaphore, #tpu.memory_space<semaphore_mem>>)
      %dma_wait3A = tpu.memref_slice %arg3[%mul3A_0] : memref<320000xi32, #tpu.memory_space<hbm>> -> memref<20000xi32, #tpu.memory_space<hbm>>
      %dma_wait3A_30 = tpu.memref_slice %arg3[%mul3A_0] : memref<320000xi32, #tpu.memory_space<hbm>> -> memref<20000xi32, #tpu.memory_space<hbm>>
      tpu.wait_dma2 semaphore(%run_scoped3A : memref<!tpu.dma_semaphore, #tpu.memory_space<semaphore_mem>>) src(%dma_wait3A_30 : memref<20000xi32, #tpu.memory_space<hbm>>) dst(%arg6 : memref<20000xi32, #tpu.memory_space<vmem>>)
      tpu.yield
    }) : () -> ()
    %scan3A = arith.constant 0 : i32
    %scan3A_1 = arith.constant 0 : i32
    %scan3A_2 = arith.constant 1250 : i32
    %scan3A_3 = arith.addi %scan3A_1, %scan3A_2 : i32
    %scan3A_4 = arith.constant 1 : i32
    scf.for %scan3A_29 = %scan3A_1 to %scan3A_3 step %scan3A_4  : i32 {
      %mul3A_30 = arith.constant 16 : i32
      %mul3A_31 = arith.muli %scan3A_29, %mul3A_30 : i32
      %get3A = arith.index_cast %mul3A_31 : i32 to index
      %get3A_32 = tpu.vector_load %arg5[%get3A] {strides = array<i32>} : memref<20000xf32, #tpu.memory_space<vmem>>, vector<16xf32>,
      %exp3A = math.exp %get3A_32 : vector<16xf32>
      %mul3A_33 = arith.constant 16 : i32
      %mul3A_34 = arith.muli %scan3A_29, %mul3A_33 : i32
      %swap3A = arith.index_cast %mul3A_34 : i32 to index
      %swap3A_35 = tpu.vector_load %arg5[%swap3A] {strides = array<i32>} : memref<20000xf32, #tpu.memory_space<vmem>>, vector<16xf32>,
      tpu.vector_store %arg5[%swap3A], %exp3A {strides = array<i32>} : memref<20000xf32, #tpu.memory_space<vmem>>, vector<16xf32>,
    }
    %scan3A_5 = arith.constant 1250 : i32
    %scan3A_6 = arith.constant 0 : i32
    %scan3A_7 = arith.constant 0 : i32
    %scan3A_8 = arith.constant 40 : i32
    %scan3A_9 = arith.addi %scan3A_7, %scan3A_8 : i32
    %scan3A_10 = arith.constant 1 : i32
    scf.for %scan3A_29 = %scan3A_7 to %scan3A_9 step %scan3A_10  : i32 {
      %broadcast_in_dim3A = arith.constant 0.000000e+00 : f32
      %broadcast_in_dim3A_30 = vector.broadcast %broadcast_in_dim3A : f32 to vector<16xf32>
      %mul3A_31 = arith.constant 16 : i32
      %mul3A_32 = arith.muli %scan3A_29, %mul3A_31 : i32
      %swap3A = arith.index_cast %mul3A_32 : i32 to index
      %swap3A_33 = tpu.vector_load %arg9[%swap3A] {strides = array<i32>} : memref<640xf32, #tpu.memory_space<vmem>>, vector<16xf32>,
      tpu.vector_store %arg9[%swap3A], %broadcast_in_dim3A_30 {strides = array<i32>} : memref<640xf32, #tpu.memory_space<vmem>>, vector<16xf32>,
    }
    %scan3A_11 = arith.constant 40 : i32
    %mul3A_12 = arith.constant 640 : i32
    %mul3A_13 = arith.muli %arg1, %mul3A_12 : i32
    "tpu.region"() ({
      %run_scoped3A = tpu.sem_alloc : memref<!tpu.dma_semaphore, #tpu.memory_space<semaphore_mem>>
      %dma_start3A = tpu.memref_slice %arg11[%mul3A_13] : memref<10240xf32, #tpu.memory_space<vmem_shared>> -> memref<640xf32, #tpu.memory_space<vmem_shared>>
      %dma_start3A_29 = tpu.memref_slice %arg11[%mul3A_13] : memref<10240xf32, #tpu.memory_space<vmem_shared>> -> memref<640xf32, #tpu.memory_space<vmem_shared>>
      tpu.enqueue_dma source(%arg9 : memref<640xf32, #tpu.memory_space<vmem>>) target(%dma_start3A_29 : memref<640xf32, #tpu.memory_space<vmem_shared>>) target_semaphore(%run_scoped3A : memref<!tpu.dma_semaphore, #tpu.memory_space<semaphore_mem>>)
      %dma_wait3A = tpu.memref_slice %arg11[%mul3A_13] : memref<10240xf32, #tpu.memory_space<vmem_shared>> -> memref<640xf32, #tpu.memory_space<vmem_shared>>
      %dma_wait3A_30 = tpu.memref_slice %arg11[%mul3A_13] : memref<10240xf32, #tpu.memory_space<vmem_shared>> -> memref<640xf32, #tpu.memory_space<vmem_shared>>
      tpu.wait_dma2 semaphore(%run_scoped3A : memref<!tpu.dma_semaphore, #tpu.memory_space<semaphore_mem>>) src(%arg9 : memref<640xf32, #tpu.memory_space<vmem>>) dst(%dma_wait3A_30 : memref<640xf32, #tpu.memory_space<vmem_shared>>)
      tpu.yield
    }) : () -> ()
    %barrier3A = arith.constant 0 : index
    tpu.barrier barrier_id(%barrier3A)
    %scan3A_14 = arith.constant 0 : i32
    %scan3A_15 = arith.constant 0 : i32
    %scan3A_16 = arith.constant 250 : i32
    %scan3A_17 = arith.addi %scan3A_15, %scan3A_16 : i32
    %scan3A_18 = arith.constant 1 : i32
    scf.for %scan3A_29 = %scan3A_15 to %scan3A_17 step %scan3A_18  : i32 {
      %mul3A_30 = arith.constant 80 : i32
      %mul3A_31 = arith.muli %scan3A_29, %mul3A_30 : i32
      %add3A = arith.constant 0 : i32
      %add3A_32 = arith.addi %mul3A_31, %add3A : i32
      %get3A = arith.index_cast %add3A_32 : i32 to index
      %get3A_33 = tpu.vector_load %arg6[%get3A] {strides = array<i32>} : memref<20000xi32, #tpu.memory_space<vmem>>, vector<16xi32>,
      %swap3A = arith.constant 0 : index
      %swap3A_34 = tpu.vector_load %arg10[%swap3A] {strides = array<i32>} : memref<80xi32, #tpu.memory_space<vmem>>, vector<16xi32>,
      tpu.vector_store %arg10[%swap3A], %get3A_33 {strides = array<i32>} : memref<80xi32, #tpu.memory_space<vmem>>, vector<16xi32>,
      %mul3A_35 = arith.constant 80 : i32
      %mul3A_36 = arith.muli %scan3A_29, %mul3A_35 : i32
      %add3A_37 = arith.constant 16 : i32
      %add3A_38 = arith.addi %mul3A_36, %add3A_37 : i32
      %get3A_39 = arith.index_cast %add3A_38 : i32 to index
      %get3A_40 = tpu.vector_load %arg6[%get3A_39] {strides = array<i32>} : memref<20000xi32, #tpu.memory_space<vmem>>, vector<16xi32>,
      %swap3A_41 = arith.constant 16 : index
      %swap3A_42 = tpu.vector_load %arg10[%swap3A_41] {strides = array<i32>} : memref<80xi32, #tpu.memory_space<vmem>>, vector<16xi32>,
      tpu.vector_store %arg10[%swap3A_41], %get3A_40 {strides = array<i32>} : memref<80xi32, #tpu.memory_space<vmem>>, vector<16xi32>,
      %mul3A_43 = arith.constant 80 : i32
      %mul3A_44 = arith.muli %scan3A_29, %mul3A_43 : i32
      %add3A_45 = arith.constant 32 : i32
      %add3A_46 = arith.addi %mul3A_44, %add3A_45 : i32
      %get3A_47 = arith.index_cast %add3A_46 : i32 to index
      %get3A_48 = tpu.vector_load %arg6[%get3A_47] {strides = array<i32>} : memref<20000xi32, #tpu.memory_space<vmem>>, vector<16xi32>,
      %swap3A_49 = arith.constant 32 : index
      %swap3A_50 = tpu.vector_load %arg10[%swap3A_49] {strides = array<i32>} : memref<80xi32, #tpu.memory_space<vmem>>, vector<16xi32>,
      tpu.vector_store %arg10[%swap3A_49], %get3A_48 {strides = array<i32>} : memref<80xi32, #tpu.memory_space<vmem>>, vector<16xi32>,
      %mul3A_51 = arith.constant 80 : i32
      %mul3A_52 = arith.muli %scan3A_29, %mul3A_51 : i32
      %add3A_53 = arith.constant 48 : i32
      %add3A_54 = arith.addi %mul3A_52, %add3A_53 : i32
      %get3A_55 = arith.index_cast %add3A_54 : i32 to index
      %get3A_56 = tpu.vector_load %arg6[%get3A_55] {strides = array<i32>} : memref<20000xi32, #tpu.memory_space<vmem>>, vector<16xi32>,
      %swap3A_57 = arith.constant 48 : index
      %swap3A_58 = tpu.vector_load %arg10[%swap3A_57] {strides = array<i32>} : memref<80xi32, #tpu.memory_space<vmem>>, vector<16xi32>,
      tpu.vector_store %arg10[%swap3A_57], %get3A_56 {strides = array<i32>} : memref<80xi32, #tpu.memory_space<vmem>>, vector<16xi32>,
      %mul3A_59 = arith.constant 80 : i32
      %mul3A_60 = arith.muli %scan3A_29, %mul3A_59 : i32
      %add3A_61 = arith.constant 64 : i32
      %add3A_62 = arith.addi %mul3A_60, %add3A_61 : i32
      %get3A_63 = arith.index_cast %add3A_62 : i32 to index
      %get3A_64 = tpu.vector_load %arg6[%get3A_63] {strides = array<i32>} : memref<20000xi32, #tpu.memory_space<vmem>>, vector<16xi32>,
      %swap3A_65 = arith.constant 64 : index
      %swap3A_66 = tpu.vector_load %arg10[%swap3A_65] {strides = array<i32>} : memref<80xi32, #tpu.memory_space<vmem>>, vector<16xi32>,
      tpu.vector_store %arg10[%swap3A_65], %get3A_64 {strides = array<i32>} : memref<80xi32, #tpu.memory_space<vmem>>, vector<16xi32>,
      %mul3A_67 = arith.constant 80 : i32
      %mul3A_68 = arith.muli %scan3A_29, %mul3A_67 : i32
      "tpu.region"() ({
        %run_scoped3A = tpu.sem_alloc : memref<!tpu.dma_semaphore, #tpu.memory_space<semaphore_mem>>
        %dma_start3A = tpu.memref_slice %arg5[%mul3A_68] : memref<20000xf32, #tpu.memory_space<vmem>> -> memref<80xf32, #tpu.memory_space<vmem>>
        %dma_start3A_69 = arith.constant 0 : i32
        %dma_start3A_70 = tpu.memref_slice %arg11[%dma_start3A_69] : memref<10240xf32, #tpu.memory_space<vmem_shared>> -> memref<10240xf32, #tpu.memory_space<vmem_shared>>
        tpu.enqueue_indirect_dma source(%dma_start3A : memref<80xf32, #tpu.memory_space<vmem>>) target(%dma_start3A_70 : memref<10240xf32, #tpu.memory_space<vmem_shared>>) offsets(%arg10 : memref<80xi32, #tpu.memory_space<vmem>>) semaphore(%run_scoped3A : memref<!tpu.dma_semaphore, #tpu.memory_space<semaphore_mem>>) {add = true}
        %dma_wait3A = tpu.memref_slice %arg5[%mul3A_68] : memref<20000xf32, #tpu.memory_space<vmem>> -> memref<80xf32, #tpu.memory_space<vmem>>
        %dma_wait3A_71 = arith.constant 0 : i32
        %dma_wait3A_72 = tpu.memref_slice %arg11[%dma_wait3A_71] : memref<10240xf32, #tpu.memory_space<vmem_shared>> -> memref<10240xf32, #tpu.memory_space<vmem_shared>>
        tpu.wait_indirect_dma semaphore(%run_scoped3A : memref<!tpu.dma_semaphore, #tpu.memory_space<semaphore_mem>>) src(%dma_wait3A : memref<80xf32, #tpu.memory_space<vmem>>) dst(%dma_wait3A_72 : memref<10240xf32, #tpu.memory_space<vmem_shared>>)
        tpu.yield
      }) : () -> ()
    }
    %scan3A_19 = arith.constant 250 : i32
    %barrier3A_20 = arith.constant 0 : index
    tpu.barrier barrier_id(%barrier3A_20)
    "tpu.region"() ({
      %run_scoped3A = tpu.sem_alloc : memref<!tpu.dma_semaphore, #tpu.memory_space<semaphore_mem>>
      tpu.enqueue_dma source(%arg11 : memref<10240xf32, #tpu.memory_space<vmem_shared>>) target(%arg8 : memref<10240xf32, #tpu.memory_space<vmem>>) target_semaphore(%run_scoped3A : memref<!tpu.dma_semaphore, #tpu.memory_space<semaphore_mem>>)
      tpu.wait_dma2 semaphore(%run_scoped3A : memref<!tpu.dma_semaphore, #tpu.memory_space<semaphore_mem>>) src(%arg11 : memref<10240xf32, #tpu.memory_space<vmem_shared>>) dst(%arg8 : memref<10240xf32, #tpu.memory_space<vmem>>)
      tpu.yield
    }) : () -> ()
    %scan3A_21 = arith.constant 0 : i32
    %scan3A_22 = arith.constant 0 : i32
    %scan3A_23 = arith.constant 1250 : i32
    %scan3A_24 = arith.addi %scan3A_22, %scan3A_23 : i32
    %scan3A_25 = arith.constant 1 : i32
    scf.for %scan3A_29 = %scan3A_22 to %scan3A_24 step %scan3A_25  : i32 {
      %mul3A_30 = arith.constant 16 : i32
      %mul3A_31 = arith.muli %scan3A_29, %mul3A_30 : i32
      %get3A = arith.index_cast %mul3A_31 : i32 to index
      %get3A_32 = tpu.vector_load %arg6[%get3A] {strides = array<i32>} : memref<20000xi32, #tpu.memory_space<vmem>>, vector<16xi32>,
      %gather3A = tpu.vector_load_idx %arg8[%get3A_32] : memref<10240xf32, #tpu.memory_space<vmem>>[vector<16xi32>], vector<16xf32>,
      %mul3A_33 = arith.constant 16 : i32
      %mul3A_34 = arith.muli %scan3A_29, %mul3A_33 : i32
      %get3A_35 = arith.index_cast %mul3A_34 : i32 to index
      %get3A_36 = tpu.vector_load %arg5[%get3A_35] {strides = array<i32>} : memref<20000xf32, #tpu.memory_space<vmem>>, vector<16xf32>,
      %div3A = arith.divf %get3A_36, %gather3A : vector<16xf32>
      %mul3A_37 = arith.constant 16 : i32
      %mul3A_38 = arith.muli %scan3A_29, %mul3A_37 : i32
      %swap3A = arith.index_cast %mul3A_38 : i32 to index
      %swap3A_39 = tpu.vector_load %arg7[%swap3A] {strides = array<i32>} : memref<20000xf32, #tpu.memory_space<vmem>>, vector<16xf32>,
      tpu.vector_store %arg7[%swap3A], %div3A {strides = array<i32>} : memref<20000xf32, #tpu.memory_space<vmem>>, vector<16xf32>,
    }
    %scan3A_26 = arith.constant 1250 : i32
    %eq3A = arith.constant 0 : i32
    %eq3A_27 = arith.cmpi eq, %arg0, %eq3A : i32
    %convert_element_type3A = arith.extui %eq3A_27 : i1 to i32
    %cond3A = arith.constant 0 : i32
    %cond3A_28 = arith.cmpi ne, %convert_element_type3A, %cond3A : i32
    scf.if %cond3A_28 {
      "tpu.region"() ({
        %run_scoped3A = tpu.sem_alloc : memref<!tpu.dma_semaphore, #tpu.memory_space<semaphore_mem>>
        %dma_start3A = tpu.memref_slice %arg4[%mul3A_0] : memref<320000xf32, #tpu.memory_space<hbm>> -> memref<20000xf32, #tpu.memory_space<hbm>>
        %dma_start3A_29 = tpu.memref_slice %arg4[%mul3A_0] : memref<320000xf32, #tpu.memory_space<hbm>> -> memref<20000xf32, #tpu.memory_space<hbm>>
        tpu.enqueue_dma source(%arg7 : memref<20000xf32, #tpu.memory_space<vmem>>) target(%dma_start3A_29 : memref<20000xf32, #tpu.memory_space<hbm>>) target_semaphore(%run_scoped3A : memref<!tpu.dma_semaphore, #tpu.memory_space<semaphore_mem>>)
        %dma_wait3A = tpu.memref_slice %arg4[%mul3A_0] : memref<320000xf32, #tpu.memory_space<hbm>> -> memref<20000xf32, #tpu.memory_space<hbm>>
        %dma_wait3A_30 = tpu.memref_slice %arg4[%mul3A_0] : memref<320000xf32, #tpu.memory_space<hbm>> -> memref<20000xf32, #tpu.memory_space<hbm>>
        tpu.wait_dma2 semaphore(%run_scoped3A : memref<!tpu.dma_semaphore, #tpu.memory_space<semaphore_mem>>) src(%arg7 : memref<20000xf32, #tpu.memory_space<vmem>>) dst(%dma_wait3A_30 : memref<20000xf32, #tpu.memory_space<hbm>>)
        tpu.yield
      }) : () -> ()
    } else {
    }
    return
  }
}

#map = affine_map<(d0, d1) -> (0, 0)>
#map1 = affine_map<(d0, d1) -> (0)>
#map2 = affine_map<(d0, d1) -> (0, 0, 0)>
module attributes {stable_mosaic.version = 14 : i64} {
  func.func @body(%arg0: i32, %arg1: i32, %arg2: memref<10000x128xf32, #tpu.memory_space<hbm>>, %arg3: memref<320000xi32, #tpu.memory_space<hbm>>, %arg4: memref<320000xi32, #tpu.memory_space<hbm>>, %arg5: memref<320000xf32, #tpu.memory_space<hbm>>, %arg6: memref<2x10240x128xf32, #tpu.memory_space<hbm>>, %arg7: memref<10000xi32, #tpu.memory_space<vmem>>, %arg8: memref<10000xi32, #tpu.memory_space<vmem>>, %arg9: memref<10000xf32, #tpu.memory_space<vmem>>, %arg10: memref<80xi32, #tpu.memory_space<vmem>>, %arg11: memref<80x128xf32, #tpu.memory_space<vmem>>, %arg12: memref<10240x128xf32, #tpu.memory_space<vmem_shared>>) attributes {dimension_semantics = [#tpu.dimension_semantics<core_parallel>, #tpu.dimension_semantics<subcore_parallel>], iteration_bounds = array<i64: 2, 16>, scalar_prefetch = 0 : i64, scratch_operands = 6 : i64, tpu.core_type = #tpu.core_type<sc_vector_subcore>, window_params = [{transform_indices = #map}, {transform_indices = #map1}, {transform_indices = #map1}, {transform_indices = #map1}, {transform_indices = #map2}]} {
    %mul3A = arith.constant 2 : i32
    %mul3A_0 = arith.muli %arg1, %mul3A : i32
    %add3A = arith.addi %mul3A_0, %arg0 : i32
    %mul3A_1 = arith.constant 10000 : i32
    %mul3A_2 = arith.muli %add3A, %mul3A_1 : i32
    "tpu.region"() ({
      %run_scoped3A = tpu.sem_alloc : memref<!tpu.dma_semaphore, #tpu.memory_space<semaphore_mem>>
      %dma_start3A = tpu.memref_slice %arg3[%mul3A_2] : memref<320000xi32, #tpu.memory_space<hbm>> -> memref<10000xi32, #tpu.memory_space<hbm>>
      %dma_start3A_51 = tpu.memref_slice %arg3[%mul3A_2] : memref<320000xi32, #tpu.memory_space<hbm>> -> memref<10000xi32, #tpu.memory_space<hbm>>
      tpu.enqueue_dma source(%dma_start3A_51 : memref<10000xi32, #tpu.memory_space<hbm>>) target(%arg7 : memref<10000xi32, #tpu.memory_space<vmem>>) target_semaphore(%run_scoped3A : memref<!tpu.dma_semaphore, #tpu.memory_space<semaphore_mem>>)
      %dma_wait3A = tpu.memref_slice %arg3[%mul3A_2] : memref<320000xi32, #tpu.memory_space<hbm>> -> memref<10000xi32, #tpu.memory_space<hbm>>
      %dma_wait3A_52 = tpu.memref_slice %arg3[%mul3A_2] : memref<320000xi32, #tpu.memory_space<hbm>> -> memref<10000xi32, #tpu.memory_space<hbm>>
      tpu.wait_dma2 semaphore(%run_scoped3A : memref<!tpu.dma_semaphore, #tpu.memory_space<semaphore_mem>>) src(%dma_wait3A_52 : memref<10000xi32, #tpu.memory_space<hbm>>) dst(%arg7 : memref<10000xi32, #tpu.memory_space<vmem>>)
      tpu.yield
    }) : () -> ()
    "tpu.region"() ({
      %run_scoped3A = tpu.sem_alloc : memref<!tpu.dma_semaphore, #tpu.memory_space<semaphore_mem>>
      %dma_start3A = tpu.memref_slice %arg4[%mul3A_2] : memref<320000xi32, #tpu.memory_space<hbm>> -> memref<10000xi32, #tpu.memory_space<hbm>>
      %dma_start3A_51 = tpu.memref_slice %arg4[%mul3A_2] : memref<320000xi32, #tpu.memory_space<hbm>> -> memref<10000xi32, #tpu.memory_space<hbm>>
      tpu.enqueue_dma source(%dma_start3A_51 : memref<10000xi32, #tpu.memory_space<hbm>>) target(%arg8 : memref<10000xi32, #tpu.memory_space<vmem>>) target_semaphore(%run_scoped3A : memref<!tpu.dma_semaphore, #tpu.memory_space<semaphore_mem>>)
      %dma_wait3A = tpu.memref_slice %arg4[%mul3A_2] : memref<320000xi32, #tpu.memory_space<hbm>> -> memref<10000xi32, #tpu.memory_space<hbm>>
      %dma_wait3A_52 = tpu.memref_slice %arg4[%mul3A_2] : memref<320000xi32, #tpu.memory_space<hbm>> -> memref<10000xi32, #tpu.memory_space<hbm>>
      tpu.wait_dma2 semaphore(%run_scoped3A : memref<!tpu.dma_semaphore, #tpu.memory_space<semaphore_mem>>) src(%dma_wait3A_52 : memref<10000xi32, #tpu.memory_space<hbm>>) dst(%arg8 : memref<10000xi32, #tpu.memory_space<vmem>>)
      tpu.yield
    }) : () -> ()
    "tpu.region"() ({
      %run_scoped3A = tpu.sem_alloc : memref<!tpu.dma_semaphore, #tpu.memory_space<semaphore_mem>>
      %dma_start3A = tpu.memref_slice %arg5[%mul3A_2] : memref<320000xf32, #tpu.memory_space<hbm>> -> memref<10000xf32, #tpu.memory_space<hbm>>
      %dma_start3A_51 = tpu.memref_slice %arg5[%mul3A_2] : memref<320000xf32, #tpu.memory_space<hbm>> -> memref<10000xf32, #tpu.memory_space<hbm>>
      tpu.enqueue_dma source(%dma_start3A_51 : memref<10000xf32, #tpu.memory_space<hbm>>) target(%arg9 : memref<10000xf32, #tpu.memory_space<vmem>>) target_semaphore(%run_scoped3A : memref<!tpu.dma_semaphore, #tpu.memory_space<semaphore_mem>>)
      %dma_wait3A = tpu.memref_slice %arg5[%mul3A_2] : memref<320000xf32, #tpu.memory_space<hbm>> -> memref<10000xf32, #tpu.memory_space<hbm>>
      %dma_wait3A_52 = tpu.memref_slice %arg5[%mul3A_2] : memref<320000xf32, #tpu.memory_space<hbm>> -> memref<10000xf32, #tpu.memory_space<hbm>>
      tpu.wait_dma2 semaphore(%run_scoped3A : memref<!tpu.dma_semaphore, #tpu.memory_space<semaphore_mem>>) src(%dma_wait3A_52 : memref<10000xf32, #tpu.memory_space<hbm>>) dst(%arg9 : memref<10000xf32, #tpu.memory_space<vmem>>)
      tpu.yield
    }) : () -> ()
    %scan3A = arith.constant 0 : i32
    %scan3A_3 = arith.constant 0 : i32
    %scan3A_4 = arith.constant 80 : i32
    %scan3A_5 = arith.addi %scan3A_3, %scan3A_4 : i32
    %scan3A_6 = arith.constant 1 : i32
    scf.for %scan3A_51 = %scan3A_3 to %scan3A_5 step %scan3A_6  : i32 {
      %broadcast_in_dim3A = arith.constant 0.000000e+00 : f32
      %broadcast_in_dim3A_52 = vector.broadcast %broadcast_in_dim3A : f32 to vector<16xf32>
      %swap3A = arith.index_cast %scan3A_51 : i32 to index
      %swap3A_53 = arith.constant 0 : index
      %swap3A_54 = tpu.vector_load %arg11[%swap3A, %swap3A_53] {strides = array<i32>} : memref<80x128xf32, #tpu.memory_space<vmem>>, vector<16xf32>,
      tpu.vector_store %arg11[%swap3A, %swap3A_53], %broadcast_in_dim3A_52 {strides = array<i32>} : memref<80x128xf32, #tpu.memory_space<vmem>>, vector<16xf32>,
      %broadcast_in_dim3A_55 = arith.constant 0.000000e+00 : f32
      %broadcast_in_dim3A_56 = vector.broadcast %broadcast_in_dim3A_55 : f32 to vector<16xf32>
      %swap3A_57 = arith.index_cast %scan3A_51 : i32 to index
      %swap3A_58 = arith.constant 16 : index
      %swap3A_59 = tpu.vector_load %arg11[%swap3A_57, %swap3A_58] {strides = array<i32>} : memref<80x128xf32, #tpu.memory_space<vmem>>, vector<16xf32>,
      tpu.vector_store %arg11[%swap3A_57, %swap3A_58], %broadcast_in_dim3A_56 {strides = array<i32>} : memref<80x128xf32, #tpu.memory_space<vmem>>, vector<16xf32>,
      %broadcast_in_dim3A_60 = arith.constant 0.000000e+00 : f32
      %broadcast_in_dim3A_61 = vector.broadcast %broadcast_in_dim3A_60 : f32 to vector<16xf32>
      %swap3A_62 = arith.index_cast %scan3A_51 : i32 to index
      %swap3A_63 = arith.constant 32 : index
      %swap3A_64 = tpu.vector_load %arg11[%swap3A_62, %swap3A_63] {strides = array<i32>} : memref<80x128xf32, #tpu.memory_space<vmem>>, vector<16xf32>,
      tpu.vector_store %arg11[%swap3A_62, %swap3A_63], %broadcast_in_dim3A_61 {strides = array<i32>} : memref<80x128xf32, #tpu.memory_space<vmem>>, vector<16xf32>,
      %broadcast_in_dim3A_65 = arith.constant 0.000000e+00 : f32
      %broadcast_in_dim3A_66 = vector.broadcast %broadcast_in_dim3A_65 : f32 to vector<16xf32>
      %swap3A_67 = arith.index_cast %scan3A_51 : i32 to index
      %swap3A_68 = arith.constant 48 : index
      %swap3A_69 = tpu.vector_load %arg11[%swap3A_67, %swap3A_68] {strides = array<i32>} : memref<80x128xf32, #tpu.memory_space<vmem>>, vector<16xf32>,
      tpu.vector_store %arg11[%swap3A_67, %swap3A_68], %broadcast_in_dim3A_66 {strides = array<i32>} : memref<80x128xf32, #tpu.memory_space<vmem>>, vector<16xf32>,
      %broadcast_in_dim3A_70 = arith.constant 0.000000e+00 : f32
      %broadcast_in_dim3A_71 = vector.broadcast %broadcast_in_dim3A_70 : f32 to vector<16xf32>
      %swap3A_72 = arith.index_cast %scan3A_51 : i32 to index
      %swap3A_73 = arith.constant 64 : index
      %swap3A_74 = tpu.vector_load %arg11[%swap3A_72, %swap3A_73] {strides = array<i32>} : memref<80x128xf32, #tpu.memory_space<vmem>>, vector<16xf32>,
      tpu.vector_store %arg11[%swap3A_72, %swap3A_73], %broadcast_in_dim3A_71 {strides = array<i32>} : memref<80x128xf32, #tpu.memory_space<vmem>>, vector<16xf32>,
      %broadcast_in_dim3A_75 = arith.constant 0.000000e+00 : f32
      %broadcast_in_dim3A_76 = vector.broadcast %broadcast_in_dim3A_75 : f32 to vector<16xf32>
      %swap3A_77 = arith.index_cast %scan3A_51 : i32 to index
      %swap3A_78 = arith.constant 80 : index
      %swap3A_79 = tpu.vector_load %arg11[%swap3A_77, %swap3A_78] {strides = array<i32>} : memref<80x128xf32, #tpu.memory_space<vmem>>, vector<16xf32>,
      tpu.vector_store %arg11[%swap3A_77, %swap3A_78], %broadcast_in_dim3A_76 {strides = array<i32>} : memref<80x128xf32, #tpu.memory_space<vmem>>, vector<16xf32>,
      %broadcast_in_dim3A_80 = arith.constant 0.000000e+00 : f32
      %broadcast_in_dim3A_81 = vector.broadcast %broadcast_in_dim3A_80 : f32 to vector<16xf32>
      %swap3A_82 = arith.index_cast %scan3A_51 : i32 to index
      %swap3A_83 = arith.constant 96 : index
      %swap3A_84 = tpu.vector_load %arg11[%swap3A_82, %swap3A_83] {strides = array<i32>} : memref<80x128xf32, #tpu.memory_space<vmem>>, vector<16xf32>,
      tpu.vector_store %arg11[%swap3A_82, %swap3A_83], %broadcast_in_dim3A_81 {strides = array<i32>} : memref<80x128xf32, #tpu.memory_space<vmem>>, vector<16xf32>,
      %broadcast_in_dim3A_85 = arith.constant 0.000000e+00 : f32
      %broadcast_in_dim3A_86 = vector.broadcast %broadcast_in_dim3A_85 : f32 to vector<16xf32>
      %swap3A_87 = arith.index_cast %scan3A_51 : i32 to index
      %swap3A_88 = arith.constant 112 : index
      %swap3A_89 = tpu.vector_load %arg11[%swap3A_87, %swap3A_88] {strides = array<i32>} : memref<80x128xf32, #tpu.memory_space<vmem>>, vector<16xf32>,
      tpu.vector_store %arg11[%swap3A_87, %swap3A_88], %broadcast_in_dim3A_86 {strides = array<i32>} : memref<80x128xf32, #tpu.memory_space<vmem>>, vector<16xf32>,
    }
    %scan3A_7 = arith.constant 80 : i32
    %mul3A_8 = arith.constant 640 : i32
    %mul3A_9 = arith.muli %arg1, %mul3A_8 : i32
    %add3A_10 = arith.constant 0 : i32
    %add3A_11 = arith.addi %mul3A_9, %add3A_10 : i32
    "tpu.region"() ({
      %run_scoped3A = tpu.sem_alloc : memref<!tpu.dma_semaphore, #tpu.memory_space<semaphore_mem>>
      %dma_start3A = arith.constant 0 : i32
      %dma_start3A_51 = tpu.memref_slice %arg12[%add3A_11, %dma_start3A] : memref<10240x128xf32, #tpu.memory_space<vmem_shared>> -> memref<80x128xf32, #tpu.memory_space<vmem_shared>>
      %dma_start3A_52 = arith.constant 0 : i32
      %dma_start3A_53 = tpu.memref_slice %arg12[%add3A_11, %dma_start3A_52] : memref<10240x128xf32, #tpu.memory_space<vmem_shared>> -> memref<80x128xf32, #tpu.memory_space<vmem_shared>>
      tpu.enqueue_dma source(%arg11 : memref<80x128xf32, #tpu.memory_space<vmem>>) target(%dma_start3A_53 : memref<80x128xf32, #tpu.memory_space<vmem_shared>>) target_semaphore(%run_scoped3A : memref<!tpu.dma_semaphore, #tpu.memory_space<semaphore_mem>>)
      %dma_wait3A = arith.constant 0 : i32
      %dma_wait3A_54 = tpu.memref_slice %arg12[%add3A_11, %dma_wait3A] : memref<10240x128xf32, #tpu.memory_space<vmem_shared>> -> memref<80x128xf32, #tpu.memory_space<vmem_shared>>
      %dma_wait3A_55 = arith.constant 0 : i32
      %dma_wait3A_56 = tpu.memref_slice %arg12[%add3A_11, %dma_wait3A_55] : memref<10240x128xf32, #tpu.memory_space<vmem_shared>> -> memref<80x128xf32, #tpu.memory_space<vmem_shared>>
      tpu.wait_dma2 semaphore(%run_scoped3A : memref<!tpu.dma_semaphore, #tpu.memory_space<semaphore_mem>>) src(%arg11 : memref<80x128xf32, #tpu.memory_space<vmem>>) dst(%dma_wait3A_56 : memref<80x128xf32, #tpu.memory_space<vmem_shared>>)
      tpu.yield
    }) : () -> ()
    %mul3A_12 = arith.constant 640 : i32
    %mul3A_13 = arith.muli %arg1, %mul3A_12 : i32
    %add3A_14 = arith.constant 80 : i32
    %add3A_15 = arith.addi %mul3A_13, %add3A_14 : i32
    "tpu.region"() ({
      %run_scoped3A = tpu.sem_alloc : memref<!tpu.dma_semaphore, #tpu.memory_space<semaphore_mem>>
      %dma_start3A = arith.constant 0 : i32
      %dma_start3A_51 = tpu.memref_slice %arg12[%add3A_15, %dma_start3A] : memref<10240x128xf32, #tpu.memory_space<vmem_shared>> -> memref<80x128xf32, #tpu.memory_space<vmem_shared>>
      %dma_start3A_52 = arith.constant 0 : i32
      %dma_start3A_53 = tpu.memref_slice %arg12[%add3A_15, %dma_start3A_52] : memref<10240x128xf32, #tpu.memory_space<vmem_shared>> -> memref<80x128xf32, #tpu.memory_space<vmem_shared>>
      tpu.enqueue_dma source(%arg11 : memref<80x128xf32, #tpu.memory_space<vmem>>) target(%dma_start3A_53 : memref<80x128xf32, #tpu.memory_space<vmem_shared>>) target_semaphore(%run_scoped3A : memref<!tpu.dma_semaphore, #tpu.memory_space<semaphore_mem>>)
      %dma_wait3A = arith.constant 0 : i32
      %dma_wait3A_54 = tpu.memref_slice %arg12[%add3A_15, %dma_wait3A] : memref<10240x128xf32, #tpu.memory_space<vmem_shared>> -> memref<80x128xf32, #tpu.memory_space<vmem_shared>>
      %dma_wait3A_55 = arith.constant 0 : i32
      %dma_wait3A_56 = tpu.memref_slice %arg12[%add3A_15, %dma_wait3A_55] : memref<10240x128xf32, #tpu.memory_space<vmem_shared>> -> memref<80x128xf32, #tpu.memory_space<vmem_shared>>
      tpu.wait_dma2 semaphore(%run_scoped3A : memref<!tpu.dma_semaphore, #tpu.memory_space<semaphore_mem>>) src(%arg11 : memref<80x128xf32, #tpu.memory_space<vmem>>) dst(%dma_wait3A_56 : memref<80x128xf32, #tpu.memory_space<vmem_shared>>)
      tpu.yield
    }) : () -> ()
    %mul3A_16 = arith.constant 640 : i32
    %mul3A_17 = arith.muli %arg1, %mul3A_16 : i32
    %add3A_18 = arith.constant 160 : i32
    %add3A_19 = arith.addi %mul3A_17, %add3A_18 : i32
    "tpu.region"() ({
      %run_scoped3A = tpu.sem_alloc : memref<!tpu.dma_semaphore, #tpu.memory_space<semaphore_mem>>
      %dma_start3A = arith.constant 0 : i32
      %dma_start3A_51 = tpu.memref_slice %arg12[%add3A_19, %dma_start3A] : memref<10240x128xf32, #tpu.memory_space<vmem_shared>> -> memref<80x128xf32, #tpu.memory_space<vmem_shared>>
      %dma_start3A_52 = arith.constant 0 : i32
      %dma_start3A_53 = tpu.memref_slice %arg12[%add3A_19, %dma_start3A_52] : memref<10240x128xf32, #tpu.memory_space<vmem_shared>> -> memref<80x128xf32, #tpu.memory_space<vmem_shared>>
      tpu.enqueue_dma source(%arg11 : memref<80x128xf32, #tpu.memory_space<vmem>>) target(%dma_start3A_53 : memref<80x128xf32, #tpu.memory_space<vmem_shared>>) target_semaphore(%run_scoped3A : memref<!tpu.dma_semaphore, #tpu.memory_space<semaphore_mem>>)
      %dma_wait3A = arith.constant 0 : i32
      %dma_wait3A_54 = tpu.memref_slice %arg12[%add3A_19, %dma_wait3A] : memref<10240x128xf32, #tpu.memory_space<vmem_shared>> -> memref<80x128xf32, #tpu.memory_space<vmem_shared>>
      %dma_wait3A_55 = arith.constant 0 : i32
      %dma_wait3A_56 = tpu.memref_slice %arg12[%add3A_19, %dma_wait3A_55] : memref<10240x128xf32, #tpu.memory_space<vmem_shared>> -> memref<80x128xf32, #tpu.memory_space<vmem_shared>>
      tpu.wait_dma2 semaphore(%run_scoped3A : memref<!tpu.dma_semaphore, #tpu.memory_space<semaphore_mem>>) src(%arg11 : memref<80x128xf32, #tpu.memory_space<vmem>>) dst(%dma_wait3A_56 : memref<80x128xf32, #tpu.memory_space<vmem_shared>>)
      tpu.yield
    }) : () -> ()
    %mul3A_20 = arith.constant 640 : i32
    %mul3A_21 = arith.muli %arg1, %mul3A_20 : i32
    %add3A_22 = arith.constant 240 : i32
    %add3A_23 = arith.addi %mul3A_21, %add3A_22 : i32
    "tpu.region"() ({
      %run_scoped3A = tpu.sem_alloc : memref<!tpu.dma_semaphore, #tpu.memory_space<semaphore_mem>>
      %dma_start3A = arith.constant 0 : i32
      %dma_start3A_51 = tpu.memref_slice %arg12[%add3A_23, %dma_start3A] : memref<10240x128xf32, #tpu.memory_space<vmem_shared>> -> memref<80x128xf32, #tpu.memory_space<vmem_shared>>
      %dma_start3A_52 = arith.constant 0 : i32
      %dma_start3A_53 = tpu.memref_slice %arg12[%add3A_23, %dma_start3A_52] : memref<10240x128xf32, #tpu.memory_space<vmem_shared>> -> memref<80x128xf32, #tpu.memory_space<vmem_shared>>
      tpu.enqueue_dma source(%arg11 : memref<80x128xf32, #tpu.memory_space<vmem>>) target(%dma_start3A_53 : memref<80x128xf32, #tpu.memory_space<vmem_shared>>) target_semaphore(%run_scoped3A : memref<!tpu.dma_semaphore, #tpu.memory_space<semaphore_mem>>)
      %dma_wait3A = arith.constant 0 : i32
      %dma_wait3A_54 = tpu.memref_slice %arg12[%add3A_23, %dma_wait3A] : memref<10240x128xf32, #tpu.memory_space<vmem_shared>> -> memref<80x128xf32, #tpu.memory_space<vmem_shared>>
      %dma_wait3A_55 = arith.constant 0 : i32
      %dma_wait3A_56 = tpu.memref_slice %arg12[%add3A_23, %dma_wait3A_55] : memref<10240x128xf32, #tpu.memory_space<vmem_shared>> -> memref<80x128xf32, #tpu.memory_space<vmem_shared>>
      tpu.wait_dma2 semaphore(%run_scoped3A : memref<!tpu.dma_semaphore, #tpu.memory_space<semaphore_mem>>) src(%arg11 : memref<80x128xf32, #tpu.memory_space<vmem>>) dst(%dma_wait3A_56 : memref<80x128xf32, #tpu.memory_space<vmem_shared>>)
      tpu.yield
    }) : () -> ()
    %mul3A_24 = arith.constant 640 : i32
    %mul3A_25 = arith.muli %arg1, %mul3A_24 : i32
    %add3A_26 = arith.constant 320 : i32
    %add3A_27 = arith.addi %mul3A_25, %add3A_26 : i32
    "tpu.region"() ({
      %run_scoped3A = tpu.sem_alloc : memref<!tpu.dma_semaphore, #tpu.memory_space<semaphore_mem>>
      %dma_start3A = arith.constant 0 : i32
      %dma_start3A_51 = tpu.memref_slice %arg12[%add3A_27, %dma_start3A] : memref<10240x128xf32, #tpu.memory_space<vmem_shared>> -> memref<80x128xf32, #tpu.memory_space<vmem_shared>>
      %dma_start3A_52 = arith.constant 0 : i32
      %dma_start3A_53 = tpu.memref_slice %arg12[%add3A_27, %dma_start3A_52] : memref<10240x128xf32, #tpu.memory_space<vmem_shared>> -> memref<80x128xf32, #tpu.memory_space<vmem_shared>>
      tpu.enqueue_dma source(%arg11 : memref<80x128xf32, #tpu.memory_space<vmem>>) target(%dma_start3A_53 : memref<80x128xf32, #tpu.memory_space<vmem_shared>>) target_semaphore(%run_scoped3A : memref<!tpu.dma_semaphore, #tpu.memory_space<semaphore_mem>>)
      %dma_wait3A = arith.constant 0 : i32
      %dma_wait3A_54 = tpu.memref_slice %arg12[%add3A_27, %dma_wait3A] : memref<10240x128xf32, #tpu.memory_space<vmem_shared>> -> memref<80x128xf32, #tpu.memory_space<vmem_shared>>
      %dma_wait3A_55 = arith.constant 0 : i32
      %dma_wait3A_56 = tpu.memref_slice %arg12[%add3A_27, %dma_wait3A_55] : memref<10240x128xf32, #tpu.memory_space<vmem_shared>> -> memref<80x128xf32, #tpu.memory_space<vmem_shared>>
      tpu.wait_dma2 semaphore(%run_scoped3A : memref<!tpu.dma_semaphore, #tpu.memory_space<semaphore_mem>>) src(%arg11 : memref<80x128xf32, #tpu.memory_space<vmem>>) dst(%dma_wait3A_56 : memref<80x128xf32, #tpu.memory_space<vmem_shared>>)
      tpu.yield
    }) : () -> ()
    %mul3A_28 = arith.constant 640 : i32
    %mul3A_29 = arith.muli %arg1, %mul3A_28 : i32
    %add3A_30 = arith.constant 400 : i32
    %add3A_31 = arith.addi %mul3A_29, %add3A_30 : i32
    "tpu.region"() ({
      %run_scoped3A = tpu.sem_alloc : memref<!tpu.dma_semaphore, #tpu.memory_space<semaphore_mem>>
      %dma_start3A = arith.constant 0 : i32
      %dma_start3A_51 = tpu.memref_slice %arg12[%add3A_31, %dma_start3A] : memref<10240x128xf32, #tpu.memory_space<vmem_shared>> -> memref<80x128xf32, #tpu.memory_space<vmem_shared>>
      %dma_start3A_52 = arith.constant 0 : i32
      %dma_start3A_53 = tpu.memref_slice %arg12[%add3A_31, %dma_start3A_52] : memref<10240x128xf32, #tpu.memory_space<vmem_shared>> -> memref<80x128xf32, #tpu.memory_space<vmem_shared>>
      tpu.enqueue_dma source(%arg11 : memref<80x128xf32, #tpu.memory_space<vmem>>) target(%dma_start3A_53 : memref<80x128xf32, #tpu.memory_space<vmem_shared>>) target_semaphore(%run_scoped3A : memref<!tpu.dma_semaphore, #tpu.memory_space<semaphore_mem>>)
      %dma_wait3A = arith.constant 0 : i32
      %dma_wait3A_54 = tpu.memref_slice %arg12[%add3A_31, %dma_wait3A] : memref<10240x128xf32, #tpu.memory_space<vmem_shared>> -> memref<80x128xf32, #tpu.memory_space<vmem_shared>>
      %dma_wait3A_55 = arith.constant 0 : i32
      %dma_wait3A_56 = tpu.memref_slice %arg12[%add3A_31, %dma_wait3A_55] : memref<10240x128xf32, #tpu.memory_space<vmem_shared>> -> memref<80x128xf32, #tpu.memory_space<vmem_shared>>
      tpu.wait_dma2 semaphore(%run_scoped3A : memref<!tpu.dma_semaphore, #tpu.memory_space<semaphore_mem>>) src(%arg11 : memref<80x128xf32, #tpu.memory_space<vmem>>) dst(%dma_wait3A_56 : memref<80x128xf32, #tpu.memory_space<vmem_shared>>)
      tpu.yield
    }) : () -> ()
    %mul3A_32 = arith.constant 640 : i32
    %mul3A_33 = arith.muli %arg1, %mul3A_32 : i32
    %add3A_34 = arith.constant 480 : i32
    %add3A_35 = arith.addi %mul3A_33, %add3A_34 : i32
    "tpu.region"() ({
      %run_scoped3A = tpu.sem_alloc : memref<!tpu.dma_semaphore, #tpu.memory_space<semaphore_mem>>
      %dma_start3A = arith.constant 0 : i32
      %dma_start3A_51 = tpu.memref_slice %arg12[%add3A_35, %dma_start3A] : memref<10240x128xf32, #tpu.memory_space<vmem_shared>> -> memref<80x128xf32, #tpu.memory_space<vmem_shared>>
      %dma_start3A_52 = arith.constant 0 : i32
      %dma_start3A_53 = tpu.memref_slice %arg12[%add3A_35, %dma_start3A_52] : memref<10240x128xf32, #tpu.memory_space<vmem_shared>> -> memref<80x128xf32, #tpu.memory_space<vmem_shared>>
      tpu.enqueue_dma source(%arg11 : memref<80x128xf32, #tpu.memory_space<vmem>>) target(%dma_start3A_53 : memref<80x128xf32, #tpu.memory_space<vmem_shared>>) target_semaphore(%run_scoped3A : memref<!tpu.dma_semaphore, #tpu.memory_space<semaphore_mem>>)
      %dma_wait3A = arith.constant 0 : i32
      %dma_wait3A_54 = tpu.memref_slice %arg12[%add3A_35, %dma_wait3A] : memref<10240x128xf32, #tpu.memory_space<vmem_shared>> -> memref<80x128xf32, #tpu.memory_space<vmem_shared>>
      %dma_wait3A_55 = arith.constant 0 : i32
      %dma_wait3A_56 = tpu.memref_slice %arg12[%add3A_35, %dma_wait3A_55] : memref<10240x128xf32, #tpu.memory_space<vmem_shared>> -> memref<80x128xf32, #tpu.memory_space<vmem_shared>>
      tpu.wait_dma2 semaphore(%run_scoped3A : memref<!tpu.dma_semaphore, #tpu.memory_space<semaphore_mem>>) src(%arg11 : memref<80x128xf32, #tpu.memory_space<vmem>>) dst(%dma_wait3A_56 : memref<80x128xf32, #tpu.memory_space<vmem_shared>>)
      tpu.yield
    }) : () -> ()
    %mul3A_36 = arith.constant 640 : i32
    %mul3A_37 = arith.muli %arg1, %mul3A_36 : i32
    %add3A_38 = arith.constant 560 : i32
    %add3A_39 = arith.addi %mul3A_37, %add3A_38 : i32
    "tpu.region"() ({
      %run_scoped3A = tpu.sem_alloc : memref<!tpu.dma_semaphore, #tpu.memory_space<semaphore_mem>>
      %dma_start3A = arith.constant 0 : i32
      %dma_start3A_51 = tpu.memref_slice %arg12[%add3A_39, %dma_start3A] : memref<10240x128xf32, #tpu.memory_space<vmem_shared>> -> memref<80x128xf32, #tpu.memory_space<vmem_shared>>
      %dma_start3A_52 = arith.constant 0 : i32
      %dma_start3A_53 = tpu.memref_slice %arg12[%add3A_39, %dma_start3A_52] : memref<10240x128xf32, #tpu.memory_space<vmem_shared>> -> memref<80x128xf32, #tpu.memory_space<vmem_shared>>
      tpu.enqueue_dma source(%arg11 : memref<80x128xf32, #tpu.memory_space<vmem>>) target(%dma_start3A_53 : memref<80x128xf32, #tpu.memory_space<vmem_shared>>) target_semaphore(%run_scoped3A : memref<!tpu.dma_semaphore, #tpu.memory_space<semaphore_mem>>)
      %dma_wait3A = arith.constant 0 : i32
      %dma_wait3A_54 = tpu.memref_slice %arg12[%add3A_39, %dma_wait3A] : memref<10240x128xf32, #tpu.memory_space<vmem_shared>> -> memref<80x128xf32, #tpu.memory_space<vmem_shared>>
      %dma_wait3A_55 = arith.constant 0 : i32
      %dma_wait3A_56 = tpu.memref_slice %arg12[%add3A_39, %dma_wait3A_55] : memref<10240x128xf32, #tpu.memory_space<vmem_shared>> -> memref<80x128xf32, #tpu.memory_space<vmem_shared>>
      tpu.wait_dma2 semaphore(%run_scoped3A : memref<!tpu.dma_semaphore, #tpu.memory_space<semaphore_mem>>) src(%arg11 : memref<80x128xf32, #tpu.memory_space<vmem>>) dst(%dma_wait3A_56 : memref<80x128xf32, #tpu.memory_space<vmem_shared>>)
      tpu.yield
    }) : () -> ()
    %barrier3A = arith.constant 0 : index
    tpu.barrier barrier_id(%barrier3A)
    %scan3A_40 = arith.constant 0 : i32
    %scan3A_41 = arith.constant 0 : i32
    %scan3A_42 = arith.constant 125 : i32
    %scan3A_43 = arith.addi %scan3A_41, %scan3A_42 : i32
    %scan3A_44 = arith.constant 1 : i32
    scf.for %scan3A_51 = %scan3A_41 to %scan3A_43 step %scan3A_44  : i32 {
      %mul3A_52 = arith.constant 80 : i32
      %mul3A_53 = arith.muli %scan3A_51, %mul3A_52 : i32
      "tpu.region"() ({
        %run_scoped3A = tpu.sem_alloc : memref<!tpu.dma_semaphore, #tpu.memory_space<semaphore_mem>>
        %dma_start3A = tpu.memref_slice %arg7[%mul3A_53] : memref<10000xi32, #tpu.memory_space<vmem>> -> memref<80xi32, #tpu.memory_space<vmem>>
        %dma_start3A_98 = arith.constant 0 : i32
        %dma_start3A_99 = arith.constant 0 : i32
        %dma_start3A_100 = tpu.memref_slice %arg2[%dma_start3A_98, %dma_start3A_99] : memref<10000x128xf32, #tpu.memory_space<hbm>> -> memref<10000x128xf32, #tpu.memory_space<hbm>>
        tpu.enqueue_indirect_dma source(%dma_start3A_100 : memref<10000x128xf32, #tpu.memory_space<hbm>>) target(%arg11 : memref<80x128xf32, #tpu.memory_space<vmem>>) offsets(%dma_start3A : memref<80xi32, #tpu.memory_space<vmem>>) semaphore(%run_scoped3A : memref<!tpu.dma_semaphore, #tpu.memory_space<semaphore_mem>>)
        %dma_wait3A = tpu.memref_slice %arg7[%mul3A_53] : memref<10000xi32, #tpu.memory_space<vmem>> -> memref<80xi32, #tpu.memory_space<vmem>>
        %dma_wait3A_101 = arith.constant 0 : i32
        %dma_wait3A_102 = arith.constant 0 : i32
        %dma_wait3A_103 = tpu.memref_slice %arg2[%dma_wait3A_101, %dma_wait3A_102] : memref<10000x128xf32, #tpu.memory_space<hbm>> -> memref<10000x128xf32, #tpu.memory_space<hbm>>
        tpu.wait_indirect_dma semaphore(%run_scoped3A : memref<!tpu.dma_semaphore, #tpu.memory_space<semaphore_mem>>) src(%dma_wait3A_103 : memref<10000x128xf32, #tpu.memory_space<hbm>>) dst(%arg11 : memref<80x128xf32, #tpu.memory_space<vmem>>)
        tpu.yield
      }) : () -> ()
      %mul3A_54 = arith.constant 80 : i32
      %mul3A_55 = arith.muli %scan3A_51, %mul3A_54 : i32
      %add3A_56 = arith.constant 0 : i32
      %add3A_57 = arith.addi %mul3A_55, %add3A_56 : i32
      %get3A = arith.index_cast %add3A_57 : i32 to index
      %get3A_58 = tpu.vector_load %arg8[%get3A] {strides = array<i32>} : memref<10000xi32, #tpu.memory_space<vmem>>, vector<16xi32>,
      %swap3A = arith.constant 0 : index
      %swap3A_59 = tpu.vector_load %arg10[%swap3A] {strides = array<i32>} : memref<80xi32, #tpu.memory_space<vmem>>, vector<16xi32>,
      tpu.vector_store %arg10[%swap3A], %get3A_58 {strides = array<i32>} : memref<80xi32, #tpu.memory_space<vmem>>, vector<16xi32>,
      %mul3A_60 = arith.constant 80 : i32
      %mul3A_61 = arith.muli %scan3A_51, %mul3A_60 : i32
      %add3A_62 = arith.constant 16 : i32
      %add3A_63 = arith.addi %mul3A_61, %add3A_62 : i32
      %get3A_64 = arith.index_cast %add3A_63 : i32 to index
      %get3A_65 = tpu.vector_load %arg8[%get3A_64] {strides = array<i32>} : memref<10000xi32, #tpu.memory_space<vmem>>, vector<16xi32>,
      %swap3A_66 = arith.constant 16 : index
      %swap3A_67 = tpu.vector_load %arg10[%swap3A_66] {strides = array<i32>} : memref<80xi32, #tpu.memory_space<vmem>>, vector<16xi32>,
      tpu.vector_store %arg10[%swap3A_66], %get3A_65 {strides = array<i32>} : memref<80xi32, #tpu.memory_space<vmem>>, vector<16xi32>,
      %mul3A_68 = arith.constant 80 : i32
      %mul3A_69 = arith.muli %scan3A_51, %mul3A_68 : i32
      %add3A_70 = arith.constant 32 : i32
      %add3A_71 = arith.addi %mul3A_69, %add3A_70 : i32
      %get3A_72 = arith.index_cast %add3A_71 : i32 to index
      %get3A_73 = tpu.vector_load %arg8[%get3A_72] {strides = array<i32>} : memref<10000xi32, #tpu.memory_space<vmem>>, vector<16xi32>,
      %swap3A_74 = arith.constant 32 : index
      %swap3A_75 = tpu.vector_load %arg10[%swap3A_74] {strides = array<i32>} : memref<80xi32, #tpu.memory_space<vmem>>, vector<16xi32>,
      tpu.vector_store %arg10[%swap3A_74], %get3A_73 {strides = array<i32>} : memref<80xi32, #tpu.memory_space<vmem>>, vector<16xi32>,
      %mul3A_76 = arith.constant 80 : i32
      %mul3A_77 = arith.muli %scan3A_51, %mul3A_76 : i32
      %add3A_78 = arith.constant 48 : i32
      %add3A_79 = arith.addi %mul3A_77, %add3A_78 : i32
      %get3A_80 = arith.index_cast %add3A_79 : i32 to index
      %get3A_81 = tpu.vector_load %arg8[%get3A_80] {strides = array<i32>} : memref<10000xi32, #tpu.memory_space<vmem>>, vector<16xi32>,
      %swap3A_82 = arith.constant 48 : index
      %swap3A_83 = tpu.vector_load %arg10[%swap3A_82] {strides = array<i32>} : memref<80xi32, #tpu.memory_space<vmem>>, vector<16xi32>,
      tpu.vector_store %arg10[%swap3A_82], %get3A_81 {strides = array<i32>} : memref<80xi32, #tpu.memory_space<vmem>>, vector<16xi32>,
      %mul3A_84 = arith.constant 80 : i32
      %mul3A_85 = arith.muli %scan3A_51, %mul3A_84 : i32
      %add3A_86 = arith.constant 64 : i32
      %add3A_87 = arith.addi %mul3A_85, %add3A_86 : i32
      %get3A_88 = arith.index_cast %add3A_87 : i32 to index
      %get3A_89 = tpu.vector_load %arg8[%get3A_88] {strides = array<i32>} : memref<10000xi32, #tpu.memory_space<vmem>>, vector<16xi32>,
      %swap3A_90 = arith.constant 64 : index
      %swap3A_91 = tpu.vector_load %arg10[%swap3A_90] {strides = array<i32>} : memref<80xi32, #tpu.memory_space<vmem>>, vector<16xi32>,
      tpu.vector_store %arg10[%swap3A_90], %get3A_89 {strides = array<i32>} : memref<80xi32, #tpu.memory_space<vmem>>, vector<16xi32>,
      %scan3A_92 = arith.constant 0 : i32
      %scan3A_93 = arith.constant 0 : i32
      %scan3A_94 = arith.constant 80 : i32
      %scan3A_95 = arith.addi %scan3A_93, %scan3A_94 : i32
      %scan3A_96 = arith.constant 1 : i32
      scf.for %scan3A_98 = %scan3A_93 to %scan3A_95 step %scan3A_96  : i32 {
        %broadcast_in_dim3A = arith.constant 0 : i32
        %broadcast_in_dim3A_99 = vector.broadcast %broadcast_in_dim3A : i32 to vector<16xi32>
        %mul3A_100 = arith.constant 80 : i32
        %mul3A_101 = arith.muli %scan3A_51, %mul3A_100 : i32
        %add3A_102 = arith.addi %mul3A_101, %scan3A_98 : i32
        %add3A_103 = vector.broadcast %add3A_102 : i32 to vector<16xi32>
        %add3A_104 = arith.addi %broadcast_in_dim3A_99, %add3A_103 : vector<16xi32>
        %gather3A = tpu.vector_load_idx %arg9[%add3A_104] : memref<10000xf32, #tpu.memory_space<vmem>>[vector<16xi32>], vector<16xf32>,
        %get3A_105 = arith.index_cast %scan3A_98 : i32 to index
        %get3A_106 = arith.constant 0 : index
        %get3A_107 = tpu.vector_load %arg11[%get3A_105, %get3A_106] {strides = array<i32>} : memref<80x128xf32, #tpu.memory_space<vmem>>, vector<16xf32>,
        %mul3A_108 = arith.mulf %get3A_107, %gather3A : vector<16xf32>
        %swap3A_109 = arith.index_cast %scan3A_98 : i32 to index
        %swap3A_110 = arith.constant 0 : index
        %swap3A_111 = tpu.vector_load %arg11[%swap3A_109, %swap3A_110] {strides = array<i32>} : memref<80x128xf32, #tpu.memory_space<vmem>>, vector<16xf32>,
        tpu.vector_store %arg11[%swap3A_109, %swap3A_110], %mul3A_108 {strides = array<i32>} : memref<80x128xf32, #tpu.memory_space<vmem>>, vector<16xf32>,
        %get3A_112 = arith.index_cast %scan3A_98 : i32 to index
        %get3A_113 = arith.constant 16 : index
        %get3A_114 = tpu.vector_load %arg11[%get3A_112, %get3A_113] {strides = array<i32>} : memref<80x128xf32, #tpu.memory_space<vmem>>, vector<16xf32>,
        %mul3A_115 = arith.mulf %get3A_114, %gather3A : vector<16xf32>
        %swap3A_116 = arith.index_cast %scan3A_98 : i32 to index
        %swap3A_117 = arith.constant 16 : index
        %swap3A_118 = tpu.vector_load %arg11[%swap3A_116, %swap3A_117] {strides = array<i32>} : memref<80x128xf32, #tpu.memory_space<vmem>>, vector<16xf32>,
        tpu.vector_store %arg11[%swap3A_116, %swap3A_117], %mul3A_115 {strides = array<i32>} : memref<80x128xf32, #tpu.memory_space<vmem>>, vector<16xf32>,
        %get3A_119 = arith.index_cast %scan3A_98 : i32 to index
        %get3A_120 = arith.constant 32 : index
        %get3A_121 = tpu.vector_load %arg11[%get3A_119, %get3A_120] {strides = array<i32>} : memref<80x128xf32, #tpu.memory_space<vmem>>, vector<16xf32>,
        %mul3A_122 = arith.mulf %get3A_121, %gather3A : vector<16xf32>
        %swap3A_123 = arith.index_cast %scan3A_98 : i32 to index
        %swap3A_124 = arith.constant 32 : index
        %swap3A_125 = tpu.vector_load %arg11[%swap3A_123, %swap3A_124] {strides = array<i32>} : memref<80x128xf32, #tpu.memory_space<vmem>>, vector<16xf32>,
        tpu.vector_store %arg11[%swap3A_123, %swap3A_124], %mul3A_122 {strides = array<i32>} : memref<80x128xf32, #tpu.memory_space<vmem>>, vector<16xf32>,
        %get3A_126 = arith.index_cast %scan3A_98 : i32 to index
        %get3A_127 = arith.constant 48 : index
        %get3A_128 = tpu.vector_load %arg11[%get3A_126, %get3A_127] {strides = array<i32>} : memref<80x128xf32, #tpu.memory_space<vmem>>, vector<16xf32>,
        %mul3A_129 = arith.mulf %get3A_128, %gather3A : vector<16xf32>
        %swap3A_130 = arith.index_cast %scan3A_98 : i32 to index
        %swap3A_131 = arith.constant 48 : index
        %swap3A_132 = tpu.vector_load %arg11[%swap3A_130, %swap3A_131] {strides = array<i32>} : memref<80x128xf32, #tpu.memory_space<vmem>>, vector<16xf32>,
        tpu.vector_store %arg11[%swap3A_130, %swap3A_131], %mul3A_129 {strides = array<i32>} : memref<80x128xf32, #tpu.memory_space<vmem>>, vector<16xf32>,
        %get3A_133 = arith.index_cast %scan3A_98 : i32 to index
        %get3A_134 = arith.constant 64 : index
        %get3A_135 = tpu.vector_load %arg11[%get3A_133, %get3A_134] {strides = array<i32>} : memref<80x128xf32, #tpu.memory_space<vmem>>, vector<16xf32>,
        %mul3A_136 = arith.mulf %get3A_135, %gather3A : vector<16xf32>
        %swap3A_137 = arith.index_cast %scan3A_98 : i32 to index
        %swap3A_138 = arith.constant 64 : index
        %swap3A_139 = tpu.vector_load %arg11[%swap3A_137, %swap3A_138] {strides = array<i32>} : memref<80x128xf32, #tpu.memory_space<vmem>>, vector<16xf32>,
        tpu.vector_store %arg11[%swap3A_137, %swap3A_138], %mul3A_136 {strides = array<i32>} : memref<80x128xf32, #tpu.memory_space<vmem>>, vector<16xf32>,
        %get3A_140 = arith.index_cast %scan3A_98 : i32 to index
        %get3A_141 = arith.constant 80 : index
        %get3A_142 = tpu.vector_load %arg11[%get3A_140, %get3A_141] {strides = array<i32>} : memref<80x128xf32, #tpu.memory_space<vmem>>, vector<16xf32>,
        %mul3A_143 = arith.mulf %get3A_142, %gather3A : vector<16xf32>
        %swap3A_144 = arith.index_cast %scan3A_98 : i32 to index
        %swap3A_145 = arith.constant 80 : index
        %swap3A_146 = tpu.vector_load %arg11[%swap3A_144, %swap3A_145] {strides = array<i32>} : memref<80x128xf32, #tpu.memory_space<vmem>>, vector<16xf32>,
        tpu.vector_store %arg11[%swap3A_144, %swap3A_145], %mul3A_143 {strides = array<i32>} : memref<80x128xf32, #tpu.memory_space<vmem>>, vector<16xf32>,
        %get3A_147 = arith.index_cast %scan3A_98 : i32 to index
        %get3A_148 = arith.constant 96 : index
        %get3A_149 = tpu.vector_load %arg11[%get3A_147, %get3A_148] {strides = array<i32>} : memref<80x128xf32, #tpu.memory_space<vmem>>, vector<16xf32>,
        %mul3A_150 = arith.mulf %get3A_149, %gather3A : vector<16xf32>
        %swap3A_151 = arith.index_cast %scan3A_98 : i32 to index
        %swap3A_152 = arith.constant 96 : index
        %swap3A_153 = tpu.vector_load %arg11[%swap3A_151, %swap3A_152] {strides = array<i32>} : memref<80x128xf32, #tpu.memory_space<vmem>>, vector<16xf32>,
        tpu.vector_store %arg11[%swap3A_151, %swap3A_152], %mul3A_150 {strides = array<i32>} : memref<80x128xf32, #tpu.memory_space<vmem>>, vector<16xf32>,
        %get3A_154 = arith.index_cast %scan3A_98 : i32 to index
        %get3A_155 = arith.constant 112 : index
        %get3A_156 = tpu.vector_load %arg11[%get3A_154, %get3A_155] {strides = array<i32>} : memref<80x128xf32, #tpu.memory_space<vmem>>, vector<16xf32>,
        %mul3A_157 = arith.mulf %get3A_156, %gather3A : vector<16xf32>
        %swap3A_158 = arith.index_cast %scan3A_98 : i32 to index
        %swap3A_159 = arith.constant 112 : index
        %swap3A_160 = tpu.vector_load %arg11[%swap3A_158, %swap3A_159] {strides = array<i32>} : memref<80x128xf32, #tpu.memory_space<vmem>>, vector<16xf32>,
        tpu.vector_store %arg11[%swap3A_158, %swap3A_159], %mul3A_157 {strides = array<i32>} : memref<80x128xf32, #tpu.memory_space<vmem>>, vector<16xf32>,
      }
      %scan3A_97 = arith.constant 80 : i32
      "tpu.region"() ({
        %run_scoped3A = tpu.sem_alloc : memref<!tpu.dma_semaphore, #tpu.memory_space<semaphore_mem>>
        %dma_start3A = arith.constant 0 : i32
        %dma_start3A_98 = arith.constant 0 : i32
        %dma_start3A_99 = tpu.memref_slice %arg12[%dma_start3A, %dma_start3A_98] : memref<10240x128xf32, #tpu.memory_space<vmem_shared>> -> memref<10240x128xf32, #tpu.memory_space<vmem_shared>>
        tpu.enqueue_indirect_dma source(%arg11 : memref<80x128xf32, #tpu.memory_space<vmem>>) target(%dma_start3A_99 : memref<10240x128xf32, #tpu.memory_space<vmem_shared>>) offsets(%arg10 : memref<80xi32, #tpu.memory_space<vmem>>) semaphore(%run_scoped3A : memref<!tpu.dma_semaphore, #tpu.memory_space<semaphore_mem>>) {add = true}
        %dma_wait3A = arith.constant 0 : i32
        %dma_wait3A_100 = arith.constant 0 : i32
        %dma_wait3A_101 = tpu.memref_slice %arg12[%dma_wait3A, %dma_wait3A_100] : memref<10240x128xf32, #tpu.memory_space<vmem_shared>> -> memref<10240x128xf32, #tpu.memory_space<vmem_shared>>
        tpu.wait_indirect_dma semaphore(%run_scoped3A : memref<!tpu.dma_semaphore, #tpu.memory_space<semaphore_mem>>) src(%arg11 : memref<80x128xf32, #tpu.memory_space<vmem>>) dst(%dma_wait3A_101 : memref<10240x128xf32, #tpu.memory_space<vmem_shared>>)
        tpu.yield
      }) : () -> ()
    }
    %scan3A_45 = arith.constant 125 : i32
    %barrier3A_46 = arith.constant 0 : index
    tpu.barrier barrier_id(%barrier3A_46)
    %mul3A_47 = arith.constant 640 : i32
    %mul3A_48 = arith.muli %arg1, %mul3A_47 : i32
    %mul3A_49 = arith.constant 640 : i32
    %mul3A_50 = arith.muli %arg1, %mul3A_49 : i32
    "tpu.region"() ({
      %run_scoped3A = tpu.sem_alloc : memref<!tpu.dma_semaphore, #tpu.memory_space<semaphore_mem>>
      %dma_start3A = arith.constant 0 : i32
      %dma_start3A_51 = tpu.memref_slice %arg6[%arg0, %mul3A_50, %dma_start3A] : memref<2x10240x128xf32, #tpu.memory_space<hbm>> -> memref<1x640x128xf32, #tpu.memory_space<hbm>>
      %dma_start3A_52 = tpu.memref_squeeze %dma_start3A_51 : memref<1x640x128xf32, #tpu.memory_space<hbm>> -> memref<640x128xf32, #tpu.memory_space<hbm>>
      %dma_start3A_53 = arith.constant 0 : i32
      %dma_start3A_54 = tpu.memref_slice %arg12[%mul3A_48, %dma_start3A_53] : memref<10240x128xf32, #tpu.memory_space<vmem_shared>> -> memref<640x128xf32, #tpu.memory_space<vmem_shared>>
      tpu.enqueue_dma source(%dma_start3A_54 : memref<640x128xf32, #tpu.memory_space<vmem_shared>>) target(%dma_start3A_52 : memref<640x128xf32, #tpu.memory_space<hbm>>) target_semaphore(%run_scoped3A : memref<!tpu.dma_semaphore, #tpu.memory_space<semaphore_mem>>)
      %dma_wait3A = arith.constant 0 : i32
      %dma_wait3A_55 = tpu.memref_slice %arg6[%arg0, %mul3A_50, %dma_wait3A] : memref<2x10240x128xf32, #tpu.memory_space<hbm>> -> memref<1x640x128xf32, #tpu.memory_space<hbm>>
      %dma_wait3A_56 = tpu.memref_squeeze %dma_wait3A_55 : memref<1x640x128xf32, #tpu.memory_space<hbm>> -> memref<640x128xf32, #tpu.memory_space<hbm>>
      %dma_wait3A_57 = arith.constant 0 : i32
      %dma_wait3A_58 = tpu.memref_slice %arg12[%mul3A_48, %dma_wait3A_57] : memref<10240x128xf32, #tpu.memory_space<vmem_shared>> -> memref<640x128xf32, #tpu.memory_space<vmem_shared>>
      tpu.wait_dma2 semaphore(%run_scoped3A : memref<!tpu.dma_semaphore, #tpu.memory_space<semaphore_mem>>) src(%dma_wait3A_58 : memref<640x128xf32, #tpu.memory_space<vmem_shared>>) dst(%dma_wait3A_56 : memref<640x128xf32, #tpu.memory_space<hbm>>)
      tpu.yield
    }) : () -> ()
    return
  }
}

#map = affine_map<(d0, d1) -> (0, 0)>
#map1 = affine_map<(d0, d1) -> (0)>
#map2 = affine_map<(d0, d1) -> (0, 0, 0)>
module attributes {stable_mosaic.version = 14 : i64} {
  func.func @body(%arg0: i32, %arg1: i32, %arg2: memref<10000x128xf32, #tpu.memory_space<hbm>>, %arg3: memref<320000xi32, #tpu.memory_space<hbm>>, %arg4: memref<320000xi32, #tpu.memory_space<hbm>>, %arg5: memref<320000xf32, #tpu.memory_space<hbm>>, %arg6: memref<2x10240x128xf32, #tpu.memory_space<hbm>>, %arg7: memref<10000xi32, #tpu.memory_space<vmem>>, %arg8: memref<10000xi32, #tpu.memory_space<vmem>>, %arg9: memref<10000xf32, #tpu.memory_space<vmem>>, %arg10: memref<80xi32, #tpu.memory_space<vmem>>, %arg11: memref<80x128xf32, #tpu.memory_space<vmem>>, %arg12: memref<10240x128xf32, #tpu.memory_space<vmem_shared>>) attributes {dimension_semantics = [#tpu.dimension_semantics<core_parallel>, #tpu.dimension_semantics<subcore_parallel>], iteration_bounds = array<i64: 2, 16>, scalar_prefetch = 0 : i64, scratch_operands = 6 : i64, tpu.core_type = #tpu.core_type<sc_vector_subcore>, window_params = [{transform_indices = #map}, {transform_indices = #map1}, {transform_indices = #map1}, {transform_indices = #map1}, {transform_indices = #map2}]} {
    %mul3A = arith.constant 2 : i32
    %mul3A_0 = arith.muli %arg1, %mul3A : i32
    %add3A = arith.addi %mul3A_0, %arg0 : i32
    %mul3A_1 = arith.constant 10000 : i32
    %mul3A_2 = arith.muli %add3A, %mul3A_1 : i32
    "tpu.region"() ({
      %run_scoped3A = tpu.sem_alloc : memref<!tpu.dma_semaphore, #tpu.memory_space<semaphore_mem>>
      %dma_start3A = tpu.memref_slice %arg3[%mul3A_2] : memref<320000xi32, #tpu.memory_space<hbm>> -> memref<10000xi32, #tpu.memory_space<hbm>>
      %dma_start3A_51 = tpu.memref_slice %arg3[%mul3A_2] : memref<320000xi32, #tpu.memory_space<hbm>> -> memref<10000xi32, #tpu.memory_space<hbm>>
      tpu.enqueue_dma source(%dma_start3A_51 : memref<10000xi32, #tpu.memory_space<hbm>>) target(%arg7 : memref<10000xi32, #tpu.memory_space<vmem>>) target_semaphore(%run_scoped3A : memref<!tpu.dma_semaphore, #tpu.memory_space<semaphore_mem>>)
      %dma_wait3A = tpu.memref_slice %arg3[%mul3A_2] : memref<320000xi32, #tpu.memory_space<hbm>> -> memref<10000xi32, #tpu.memory_space<hbm>>
      %dma_wait3A_52 = tpu.memref_slice %arg3[%mul3A_2] : memref<320000xi32, #tpu.memory_space<hbm>> -> memref<10000xi32, #tpu.memory_space<hbm>>
      tpu.wait_dma2 semaphore(%run_scoped3A : memref<!tpu.dma_semaphore, #tpu.memory_space<semaphore_mem>>) src(%dma_wait3A_52 : memref<10000xi32, #tpu.memory_space<hbm>>) dst(%arg7 : memref<10000xi32, #tpu.memory_space<vmem>>)
      tpu.yield
    }) : () -> ()
    "tpu.region"() ({
      %run_scoped3A = tpu.sem_alloc : memref<!tpu.dma_semaphore, #tpu.memory_space<semaphore_mem>>
      %dma_start3A = tpu.memref_slice %arg4[%mul3A_2] : memref<320000xi32, #tpu.memory_space<hbm>> -> memref<10000xi32, #tpu.memory_space<hbm>>
      %dma_start3A_51 = tpu.memref_slice %arg4[%mul3A_2] : memref<320000xi32, #tpu.memory_space<hbm>> -> memref<10000xi32, #tpu.memory_space<hbm>>
      tpu.enqueue_dma source(%dma_start3A_51 : memref<10000xi32, #tpu.memory_space<hbm>>) target(%arg8 : memref<10000xi32, #tpu.memory_space<vmem>>) target_semaphore(%run_scoped3A : memref<!tpu.dma_semaphore, #tpu.memory_space<semaphore_mem>>)
      %dma_wait3A = tpu.memref_slice %arg4[%mul3A_2] : memref<320000xi32, #tpu.memory_space<hbm>> -> memref<10000xi32, #tpu.memory_space<hbm>>
      %dma_wait3A_52 = tpu.memref_slice %arg4[%mul3A_2] : memref<320000xi32, #tpu.memory_space<hbm>> -> memref<10000xi32, #tpu.memory_space<hbm>>
      tpu.wait_dma2 semaphore(%run_scoped3A : memref<!tpu.dma_semaphore, #tpu.memory_space<semaphore_mem>>) src(%dma_wait3A_52 : memref<10000xi32, #tpu.memory_space<hbm>>) dst(%arg8 : memref<10000xi32, #tpu.memory_space<vmem>>)
      tpu.yield
    }) : () -> ()
    "tpu.region"() ({
      %run_scoped3A = tpu.sem_alloc : memref<!tpu.dma_semaphore, #tpu.memory_space<semaphore_mem>>
      %dma_start3A = tpu.memref_slice %arg5[%mul3A_2] : memref<320000xf32, #tpu.memory_space<hbm>> -> memref<10000xf32, #tpu.memory_space<hbm>>
      %dma_start3A_51 = tpu.memref_slice %arg5[%mul3A_2] : memref<320000xf32, #tpu.memory_space<hbm>> -> memref<10000xf32, #tpu.memory_space<hbm>>
      tpu.enqueue_dma source(%dma_start3A_51 : memref<10000xf32, #tpu.memory_space<hbm>>) target(%arg9 : memref<10000xf32, #tpu.memory_space<vmem>>) target_semaphore(%run_scoped3A : memref<!tpu.dma_semaphore, #tpu.memory_space<semaphore_mem>>)
      %dma_wait3A = tpu.memref_slice %arg5[%mul3A_2] : memref<320000xf32, #tpu.memory_space<hbm>> -> memref<10000xf32, #tpu.memory_space<hbm>>
      %dma_wait3A_52 = tpu.memref_slice %arg5[%mul3A_2] : memref<320000xf32, #tpu.memory_space<hbm>> -> memref<10000xf32, #tpu.memory_space<hbm>>
      tpu.wait_dma2 semaphore(%run_scoped3A : memref<!tpu.dma_semaphore, #tpu.memory_space<semaphore_mem>>) src(%dma_wait3A_52 : memref<10000xf32, #tpu.memory_space<hbm>>) dst(%arg9 : memref<10000xf32, #tpu.memory_space<vmem>>)
      tpu.yield
    }) : () -> ()
    %scan3A = arith.constant 0 : i32
    %scan3A_3 = arith.constant 0 : i32
    %scan3A_4 = arith.constant 80 : i32
    %scan3A_5 = arith.addi %scan3A_3, %scan3A_4 : i32
    %scan3A_6 = arith.constant 1 : i32
    scf.for %scan3A_51 = %scan3A_3 to %scan3A_5 step %scan3A_6  : i32 {
      %broadcast_in_dim3A = arith.constant 0.000000e+00 : f32
      %broadcast_in_dim3A_52 = vector.broadcast %broadcast_in_dim3A : f32 to vector<16xf32>
      %swap3A = arith.index_cast %scan3A_51 : i32 to index
      %swap3A_53 = arith.constant 0 : index
      %swap3A_54 = tpu.vector_load %arg11[%swap3A, %swap3A_53] {strides = array<i32>} : memref<80x128xf32, #tpu.memory_space<vmem>>, vector<16xf32>,
      tpu.vector_store %arg11[%swap3A, %swap3A_53], %broadcast_in_dim3A_52 {strides = array<i32>} : memref<80x128xf32, #tpu.memory_space<vmem>>, vector<16xf32>,
      %broadcast_in_dim3A_55 = arith.constant 0.000000e+00 : f32
      %broadcast_in_dim3A_56 = vector.broadcast %broadcast_in_dim3A_55 : f32 to vector<16xf32>
      %swap3A_57 = arith.index_cast %scan3A_51 : i32 to index
      %swap3A_58 = arith.constant 16 : index
      %swap3A_59 = tpu.vector_load %arg11[%swap3A_57, %swap3A_58] {strides = array<i32>} : memref<80x128xf32, #tpu.memory_space<vmem>>, vector<16xf32>,
      tpu.vector_store %arg11[%swap3A_57, %swap3A_58], %broadcast_in_dim3A_56 {strides = array<i32>} : memref<80x128xf32, #tpu.memory_space<vmem>>, vector<16xf32>,
      %broadcast_in_dim3A_60 = arith.constant 0.000000e+00 : f32
      %broadcast_in_dim3A_61 = vector.broadcast %broadcast_in_dim3A_60 : f32 to vector<16xf32>
      %swap3A_62 = arith.index_cast %scan3A_51 : i32 to index
      %swap3A_63 = arith.constant 32 : index
      %swap3A_64 = tpu.vector_load %arg11[%swap3A_62, %swap3A_63] {strides = array<i32>} : memref<80x128xf32, #tpu.memory_space<vmem>>, vector<16xf32>,
      tpu.vector_store %arg11[%swap3A_62, %swap3A_63], %broadcast_in_dim3A_61 {strides = array<i32>} : memref<80x128xf32, #tpu.memory_space<vmem>>, vector<16xf32>,
      %broadcast_in_dim3A_65 = arith.constant 0.000000e+00 : f32
      %broadcast_in_dim3A_66 = vector.broadcast %broadcast_in_dim3A_65 : f32 to vector<16xf32>
      %swap3A_67 = arith.index_cast %scan3A_51 : i32 to index
      %swap3A_68 = arith.constant 48 : index
      %swap3A_69 = tpu.vector_load %arg11[%swap3A_67, %swap3A_68] {strides = array<i32>} : memref<80x128xf32, #tpu.memory_space<vmem>>, vector<16xf32>,
      tpu.vector_store %arg11[%swap3A_67, %swap3A_68], %broadcast_in_dim3A_66 {strides = array<i32>} : memref<80x128xf32, #tpu.memory_space<vmem>>, vector<16xf32>,
      %broadcast_in_dim3A_70 = arith.constant 0.000000e+00 : f32
      %broadcast_in_dim3A_71 = vector.broadcast %broadcast_in_dim3A_70 : f32 to vector<16xf32>
      %swap3A_72 = arith.index_cast %scan3A_51 : i32 to index
      %swap3A_73 = arith.constant 64 : index
      %swap3A_74 = tpu.vector_load %arg11[%swap3A_72, %swap3A_73] {strides = array<i32>} : memref<80x128xf32, #tpu.memory_space<vmem>>, vector<16xf32>,
      tpu.vector_store %arg11[%swap3A_72, %swap3A_73], %broadcast_in_dim3A_71 {strides = array<i32>} : memref<80x128xf32, #tpu.memory_space<vmem>>, vector<16xf32>,
      %broadcast_in_dim3A_75 = arith.constant 0.000000e+00 : f32
      %broadcast_in_dim3A_76 = vector.broadcast %broadcast_in_dim3A_75 : f32 to vector<16xf32>
      %swap3A_77 = arith.index_cast %scan3A_51 : i32 to index
      %swap3A_78 = arith.constant 80 : index
      %swap3A_79 = tpu.vector_load %arg11[%swap3A_77, %swap3A_78] {strides = array<i32>} : memref<80x128xf32, #tpu.memory_space<vmem>>, vector<16xf32>,
      tpu.vector_store %arg11[%swap3A_77, %swap3A_78], %broadcast_in_dim3A_76 {strides = array<i32>} : memref<80x128xf32, #tpu.memory_space<vmem>>, vector<16xf32>,
      %broadcast_in_dim3A_80 = arith.constant 0.000000e+00 : f32
      %broadcast_in_dim3A_81 = vector.broadcast %broadcast_in_dim3A_80 : f32 to vector<16xf32>
      %swap3A_82 = arith.index_cast %scan3A_51 : i32 to index
      %swap3A_83 = arith.constant 96 : index
      %swap3A_84 = tpu.vector_load %arg11[%swap3A_82, %swap3A_83] {strides = array<i32>} : memref<80x128xf32, #tpu.memory_space<vmem>>, vector<16xf32>,
      tpu.vector_store %arg11[%swap3A_82, %swap3A_83], %broadcast_in_dim3A_81 {strides = array<i32>} : memref<80x128xf32, #tpu.memory_space<vmem>>, vector<16xf32>,
      %broadcast_in_dim3A_85 = arith.constant 0.000000e+00 : f32
      %broadcast_in_dim3A_86 = vector.broadcast %broadcast_in_dim3A_85 : f32 to vector<16xf32>
      %swap3A_87 = arith.index_cast %scan3A_51 : i32 to index
      %swap3A_88 = arith.constant 112 : index
      %swap3A_89 = tpu.vector_load %arg11[%swap3A_87, %swap3A_88] {strides = array<i32>} : memref<80x128xf32, #tpu.memory_space<vmem>>, vector<16xf32>,
      tpu.vector_store %arg11[%swap3A_87, %swap3A_88], %broadcast_in_dim3A_86 {strides = array<i32>} : memref<80x128xf32, #tpu.memory_space<vmem>>, vector<16xf32>,
    }
    %scan3A_7 = arith.constant 80 : i32
    %mul3A_8 = arith.constant 640 : i32
    %mul3A_9 = arith.muli %arg1, %mul3A_8 : i32
    %add3A_10 = arith.constant 0 : i32
    %add3A_11 = arith.addi %mul3A_9, %add3A_10 : i32
    "tpu.region"() ({
      %run_scoped3A = tpu.sem_alloc : memref<!tpu.dma_semaphore, #tpu.memory_space<semaphore_mem>>
      %dma_start3A = arith.constant 0 : i32
      %dma_start3A_51 = tpu.memref_slice %arg12[%add3A_11, %dma_start3A] : memref<10240x128xf32, #tpu.memory_space<vmem_shared>> -> memref<80x128xf32, #tpu.memory_space<vmem_shared>>
      %dma_start3A_52 = arith.constant 0 : i32
      %dma_start3A_53 = tpu.memref_slice %arg12[%add3A_11, %dma_start3A_52] : memref<10240x128xf32, #tpu.memory_space<vmem_shared>> -> memref<80x128xf32, #tpu.memory_space<vmem_shared>>
      tpu.enqueue_dma source(%arg11 : memref<80x128xf32, #tpu.memory_space<vmem>>) target(%dma_start3A_53 : memref<80x128xf32, #tpu.memory_space<vmem_shared>>) target_semaphore(%run_scoped3A : memref<!tpu.dma_semaphore, #tpu.memory_space<semaphore_mem>>)
      %dma_wait3A = arith.constant 0 : i32
      %dma_wait3A_54 = tpu.memref_slice %arg12[%add3A_11, %dma_wait3A] : memref<10240x128xf32, #tpu.memory_space<vmem_shared>> -> memref<80x128xf32, #tpu.memory_space<vmem_shared>>
      %dma_wait3A_55 = arith.constant 0 : i32
      %dma_wait3A_56 = tpu.memref_slice %arg12[%add3A_11, %dma_wait3A_55] : memref<10240x128xf32, #tpu.memory_space<vmem_shared>> -> memref<80x128xf32, #tpu.memory_space<vmem_shared>>
      tpu.wait_dma2 semaphore(%run_scoped3A : memref<!tpu.dma_semaphore, #tpu.memory_space<semaphore_mem>>) src(%arg11 : memref<80x128xf32, #tpu.memory_space<vmem>>) dst(%dma_wait3A_56 : memref<80x128xf32, #tpu.memory_space<vmem_shared>>)
      tpu.yield
    }) : () -> ()
    %mul3A_12 = arith.constant 640 : i32
    %mul3A_13 = arith.muli %arg1, %mul3A_12 : i32
    %add3A_14 = arith.constant 80 : i32
    %add3A_15 = arith.addi %mul3A_13, %add3A_14 : i32
    "tpu.region"() ({
      %run_scoped3A = tpu.sem_alloc : memref<!tpu.dma_semaphore, #tpu.memory_space<semaphore_mem>>
      %dma_start3A = arith.constant 0 : i32
      %dma_start3A_51 = tpu.memref_slice %arg12[%add3A_15, %dma_start3A] : memref<10240x128xf32, #tpu.memory_space<vmem_shared>> -> memref<80x128xf32, #tpu.memory_space<vmem_shared>>
      %dma_start3A_52 = arith.constant 0 : i32
      %dma_start3A_53 = tpu.memref_slice %arg12[%add3A_15, %dma_start3A_52] : memref<10240x128xf32, #tpu.memory_space<vmem_shared>> -> memref<80x128xf32, #tpu.memory_space<vmem_shared>>
      tpu.enqueue_dma source(%arg11 : memref<80x128xf32, #tpu.memory_space<vmem>>) target(%dma_start3A_53 : memref<80x128xf32, #tpu.memory_space<vmem_shared>>) target_semaphore(%run_scoped3A : memref<!tpu.dma_semaphore, #tpu.memory_space<semaphore_mem>>)
      %dma_wait3A = arith.constant 0 : i32
      %dma_wait3A_54 = tpu.memref_slice %arg12[%add3A_15, %dma_wait3A] : memref<10240x128xf32, #tpu.memory_space<vmem_shared>> -> memref<80x128xf32, #tpu.memory_space<vmem_shared>>
      %dma_wait3A_55 = arith.constant 0 : i32
      %dma_wait3A_56 = tpu.memref_slice %arg12[%add3A_15, %dma_wait3A_55] : memref<10240x128xf32, #tpu.memory_space<vmem_shared>> -> memref<80x128xf32, #tpu.memory_space<vmem_shared>>
      tpu.wait_dma2 semaphore(%run_scoped3A : memref<!tpu.dma_semaphore, #tpu.memory_space<semaphore_mem>>) src(%arg11 : memref<80x128xf32, #tpu.memory_space<vmem>>) dst(%dma_wait3A_56 : memref<80x128xf32, #tpu.memory_space<vmem_shared>>)
      tpu.yield
    }) : () -> ()
    %mul3A_16 = arith.constant 640 : i32
    %mul3A_17 = arith.muli %arg1, %mul3A_16 : i32
    %add3A_18 = arith.constant 160 : i32
    %add3A_19 = arith.addi %mul3A_17, %add3A_18 : i32
    "tpu.region"() ({
      %run_scoped3A = tpu.sem_alloc : memref<!tpu.dma_semaphore, #tpu.memory_space<semaphore_mem>>
      %dma_start3A = arith.constant 0 : i32
      %dma_start3A_51 = tpu.memref_slice %arg12[%add3A_19, %dma_start3A] : memref<10240x128xf32, #tpu.memory_space<vmem_shared>> -> memref<80x128xf32, #tpu.memory_space<vmem_shared>>
      %dma_start3A_52 = arith.constant 0 : i32
      %dma_start3A_53 = tpu.memref_slice %arg12[%add3A_19, %dma_start3A_52] : memref<10240x128xf32, #tpu.memory_space<vmem_shared>> -> memref<80x128xf32, #tpu.memory_space<vmem_shared>>
      tpu.enqueue_dma source(%arg11 : memref<80x128xf32, #tpu.memory_space<vmem>>) target(%dma_start3A_53 : memref<80x128xf32, #tpu.memory_space<vmem_shared>>) target_semaphore(%run_scoped3A : memref<!tpu.dma_semaphore, #tpu.memory_space<semaphore_mem>>)
      %dma_wait3A = arith.constant 0 : i32
      %dma_wait3A_54 = tpu.memref_slice %arg12[%add3A_19, %dma_wait3A] : memref<10240x128xf32, #tpu.memory_space<vmem_shared>> -> memref<80x128xf32, #tpu.memory_space<vmem_shared>>
      %dma_wait3A_55 = arith.constant 0 : i32
      %dma_wait3A_56 = tpu.memref_slice %arg12[%add3A_19, %dma_wait3A_55] : memref<10240x128xf32, #tpu.memory_space<vmem_shared>> -> memref<80x128xf32, #tpu.memory_space<vmem_shared>>
      tpu.wait_dma2 semaphore(%run_scoped3A : memref<!tpu.dma_semaphore, #tpu.memory_space<semaphore_mem>>) src(%arg11 : memref<80x128xf32, #tpu.memory_space<vmem>>) dst(%dma_wait3A_56 : memref<80x128xf32, #tpu.memory_space<vmem_shared>>)
      tpu.yield
    }) : () -> ()
    %mul3A_20 = arith.constant 640 : i32
    %mul3A_21 = arith.muli %arg1, %mul3A_20 : i32
    %add3A_22 = arith.constant 240 : i32
    %add3A_23 = arith.addi %mul3A_21, %add3A_22 : i32
    "tpu.region"() ({
      %run_scoped3A = tpu.sem_alloc : memref<!tpu.dma_semaphore, #tpu.memory_space<semaphore_mem>>
      %dma_start3A = arith.constant 0 : i32
      %dma_start3A_51 = tpu.memref_slice %arg12[%add3A_23, %dma_start3A] : memref<10240x128xf32, #tpu.memory_space<vmem_shared>> -> memref<80x128xf32, #tpu.memory_space<vmem_shared>>
      %dma_start3A_52 = arith.constant 0 : i32
      %dma_start3A_53 = tpu.memref_slice %arg12[%add3A_23, %dma_start3A_52] : memref<10240x128xf32, #tpu.memory_space<vmem_shared>> -> memref<80x128xf32, #tpu.memory_space<vmem_shared>>
      tpu.enqueue_dma source(%arg11 : memref<80x128xf32, #tpu.memory_space<vmem>>) target(%dma_start3A_53 : memref<80x128xf32, #tpu.memory_space<vmem_shared>>) target_semaphore(%run_scoped3A : memref<!tpu.dma_semaphore, #tpu.memory_space<semaphore_mem>>)
      %dma_wait3A = arith.constant 0 : i32
      %dma_wait3A_54 = tpu.memref_slice %arg12[%add3A_23, %dma_wait3A] : memref<10240x128xf32, #tpu.memory_space<vmem_shared>> -> memref<80x128xf32, #tpu.memory_space<vmem_shared>>
      %dma_wait3A_55 = arith.constant 0 : i32
      %dma_wait3A_56 = tpu.memref_slice %arg12[%add3A_23, %dma_wait3A_55] : memref<10240x128xf32, #tpu.memory_space<vmem_shared>> -> memref<80x128xf32, #tpu.memory_space<vmem_shared>>
      tpu.wait_dma2 semaphore(%run_scoped3A : memref<!tpu.dma_semaphore, #tpu.memory_space<semaphore_mem>>) src(%arg11 : memref<80x128xf32, #tpu.memory_space<vmem>>) dst(%dma_wait3A_56 : memref<80x128xf32, #tpu.memory_space<vmem_shared>>)
      tpu.yield
    }) : () -> ()
    %mul3A_24 = arith.constant 640 : i32
    %mul3A_25 = arith.muli %arg1, %mul3A_24 : i32
    %add3A_26 = arith.constant 320 : i32
    %add3A_27 = arith.addi %mul3A_25, %add3A_26 : i32
    "tpu.region"() ({
      %run_scoped3A = tpu.sem_alloc : memref<!tpu.dma_semaphore, #tpu.memory_space<semaphore_mem>>
      %dma_start3A = arith.constant 0 : i32
      %dma_start3A_51 = tpu.memref_slice %arg12[%add3A_27, %dma_start3A] : memref<10240x128xf32, #tpu.memory_space<vmem_shared>> -> memref<80x128xf32, #tpu.memory_space<vmem_shared>>
      %dma_start3A_52 = arith.constant 0 : i32
      %dma_start3A_53 = tpu.memref_slice %arg12[%add3A_27, %dma_start3A_52] : memref<10240x128xf32, #tpu.memory_space<vmem_shared>> -> memref<80x128xf32, #tpu.memory_space<vmem_shared>>
      tpu.enqueue_dma source(%arg11 : memref<80x128xf32, #tpu.memory_space<vmem>>) target(%dma_start3A_53 : memref<80x128xf32, #tpu.memory_space<vmem_shared>>) target_semaphore(%run_scoped3A : memref<!tpu.dma_semaphore, #tpu.memory_space<semaphore_mem>>)
      %dma_wait3A = arith.constant 0 : i32
      %dma_wait3A_54 = tpu.memref_slice %arg12[%add3A_27, %dma_wait3A] : memref<10240x128xf32, #tpu.memory_space<vmem_shared>> -> memref<80x128xf32, #tpu.memory_space<vmem_shared>>
      %dma_wait3A_55 = arith.constant 0 : i32
      %dma_wait3A_56 = tpu.memref_slice %arg12[%add3A_27, %dma_wait3A_55] : memref<10240x128xf32, #tpu.memory_space<vmem_shared>> -> memref<80x128xf32, #tpu.memory_space<vmem_shared>>
      tpu.wait_dma2 semaphore(%run_scoped3A : memref<!tpu.dma_semaphore, #tpu.memory_space<semaphore_mem>>) src(%arg11 : memref<80x128xf32, #tpu.memory_space<vmem>>) dst(%dma_wait3A_56 : memref<80x128xf32, #tpu.memory_space<vmem_shared>>)
      tpu.yield
    }) : () -> ()
    %mul3A_28 = arith.constant 640 : i32
    %mul3A_29 = arith.muli %arg1, %mul3A_28 : i32
    %add3A_30 = arith.constant 400 : i32
    %add3A_31 = arith.addi %mul3A_29, %add3A_30 : i32
    "tpu.region"() ({
      %run_scoped3A = tpu.sem_alloc : memref<!tpu.dma_semaphore, #tpu.memory_space<semaphore_mem>>
      %dma_start3A = arith.constant 0 : i32
      %dma_start3A_51 = tpu.memref_slice %arg12[%add3A_31, %dma_start3A] : memref<10240x128xf32, #tpu.memory_space<vmem_shared>> -> memref<80x128xf32, #tpu.memory_space<vmem_shared>>
      %dma_start3A_52 = arith.constant 0 : i32
      %dma_start3A_53 = tpu.memref_slice %arg12[%add3A_31, %dma_start3A_52] : memref<10240x128xf32, #tpu.memory_space<vmem_shared>> -> memref<80x128xf32, #tpu.memory_space<vmem_shared>>
      tpu.enqueue_dma source(%arg11 : memref<80x128xf32, #tpu.memory_space<vmem>>) target(%dma_start3A_53 : memref<80x128xf32, #tpu.memory_space<vmem_shared>>) target_semaphore(%run_scoped3A : memref<!tpu.dma_semaphore, #tpu.memory_space<semaphore_mem>>)
      %dma_wait3A = arith.constant 0 : i32
      %dma_wait3A_54 = tpu.memref_slice %arg12[%add3A_31, %dma_wait3A] : memref<10240x128xf32, #tpu.memory_space<vmem_shared>> -> memref<80x128xf32, #tpu.memory_space<vmem_shared>>
      %dma_wait3A_55 = arith.constant 0 : i32
      %dma_wait3A_56 = tpu.memref_slice %arg12[%add3A_31, %dma_wait3A_55] : memref<10240x128xf32, #tpu.memory_space<vmem_shared>> -> memref<80x128xf32, #tpu.memory_space<vmem_shared>>
      tpu.wait_dma2 semaphore(%run_scoped3A : memref<!tpu.dma_semaphore, #tpu.memory_space<semaphore_mem>>) src(%arg11 : memref<80x128xf32, #tpu.memory_space<vmem>>) dst(%dma_wait3A_56 : memref<80x128xf32, #tpu.memory_space<vmem_shared>>)
      tpu.yield
    }) : () -> ()
    %mul3A_32 = arith.constant 640 : i32
    %mul3A_33 = arith.muli %arg1, %mul3A_32 : i32
    %add3A_34 = arith.constant 480 : i32
    %add3A_35 = arith.addi %mul3A_33, %add3A_34 : i32
    "tpu.region"() ({
      %run_scoped3A = tpu.sem_alloc : memref<!tpu.dma_semaphore, #tpu.memory_space<semaphore_mem>>
      %dma_start3A = arith.constant 0 : i32
      %dma_start3A_51 = tpu.memref_slice %arg12[%add3A_35, %dma_start3A] : memref<10240x128xf32, #tpu.memory_space<vmem_shared>> -> memref<80x128xf32, #tpu.memory_space<vmem_shared>>
      %dma_start3A_52 = arith.constant 0 : i32
      %dma_start3A_53 = tpu.memref_slice %arg12[%add3A_35, %dma_start3A_52] : memref<10240x128xf32, #tpu.memory_space<vmem_shared>> -> memref<80x128xf32, #tpu.memory_space<vmem_shared>>
      tpu.enqueue_dma source(%arg11 : memref<80x128xf32, #tpu.memory_space<vmem>>) target(%dma_start3A_53 : memref<80x128xf32, #tpu.memory_space<vmem_shared>>) target_semaphore(%run_scoped3A : memref<!tpu.dma_semaphore, #tpu.memory_space<semaphore_mem>>)
      %dma_wait3A = arith.constant 0 : i32
      %dma_wait3A_54 = tpu.memref_slice %arg12[%add3A_35, %dma_wait3A] : memref<10240x128xf32, #tpu.memory_space<vmem_shared>> -> memref<80x128xf32, #tpu.memory_space<vmem_shared>>
      %dma_wait3A_55 = arith.constant 0 : i32
      %dma_wait3A_56 = tpu.memref_slice %arg12[%add3A_35, %dma_wait3A_55] : memref<10240x128xf32, #tpu.memory_space<vmem_shared>> -> memref<80x128xf32, #tpu.memory_space<vmem_shared>>
      tpu.wait_dma2 semaphore(%run_scoped3A : memref<!tpu.dma_semaphore, #tpu.memory_space<semaphore_mem>>) src(%arg11 : memref<80x128xf32, #tpu.memory_space<vmem>>) dst(%dma_wait3A_56 : memref<80x128xf32, #tpu.memory_space<vmem_shared>>)
      tpu.yield
    }) : () -> ()
    %mul3A_36 = arith.constant 640 : i32
    %mul3A_37 = arith.muli %arg1, %mul3A_36 : i32
    %add3A_38 = arith.constant 560 : i32
    %add3A_39 = arith.addi %mul3A_37, %add3A_38 : i32
    "tpu.region"() ({
      %run_scoped3A = tpu.sem_alloc : memref<!tpu.dma_semaphore, #tpu.memory_space<semaphore_mem>>
      %dma_start3A = arith.constant 0 : i32
      %dma_start3A_51 = tpu.memref_slice %arg12[%add3A_39, %dma_start3A] : memref<10240x128xf32, #tpu.memory_space<vmem_shared>> -> memref<80x128xf32, #tpu.memory_space<vmem_shared>>
      %dma_start3A_52 = arith.constant 0 : i32
      %dma_start3A_53 = tpu.memref_slice %arg12[%add3A_39, %dma_start3A_52] : memref<10240x128xf32, #tpu.memory_space<vmem_shared>> -> memref<80x128xf32, #tpu.memory_space<vmem_shared>>
      tpu.enqueue_dma source(%arg11 : memref<80x128xf32, #tpu.memory_space<vmem>>) target(%dma_start3A_53 : memref<80x128xf32, #tpu.memory_space<vmem_shared>>) target_semaphore(%run_scoped3A : memref<!tpu.dma_semaphore, #tpu.memory_space<semaphore_mem>>)
      %dma_wait3A = arith.constant 0 : i32
      %dma_wait3A_54 = tpu.memref_slice %arg12[%add3A_39, %dma_wait3A] : memref<10240x128xf32, #tpu.memory_space<vmem_shared>> -> memref<80x128xf32, #tpu.memory_space<vmem_shared>>
      %dma_wait3A_55 = arith.constant 0 : i32
      %dma_wait3A_56 = tpu.memref_slice %arg12[%add3A_39, %dma_wait3A_55] : memref<10240x128xf32, #tpu.memory_space<vmem_shared>> -> memref<80x128xf32, #tpu.memory_space<vmem_shared>>
      tpu.wait_dma2 semaphore(%run_scoped3A : memref<!tpu.dma_semaphore, #tpu.memory_space<semaphore_mem>>) src(%arg11 : memref<80x128xf32, #tpu.memory_space<vmem>>) dst(%dma_wait3A_56 : memref<80x128xf32, #tpu.memory_space<vmem_shared>>)
      tpu.yield
    }) : () -> ()
    %barrier3A = arith.constant 0 : index
    tpu.barrier barrier_id(%barrier3A)
    %scan3A_40 = arith.constant 0 : i32
    %scan3A_41 = arith.constant 0 : i32
    %scan3A_42 = arith.constant 125 : i32
    %scan3A_43 = arith.addi %scan3A_41, %scan3A_42 : i32
    %scan3A_44 = arith.constant 1 : i32
    scf.for %scan3A_51 = %scan3A_41 to %scan3A_43 step %scan3A_44  : i32 {
      %mul3A_52 = arith.constant 80 : i32
      %mul3A_53 = arith.muli %scan3A_51, %mul3A_52 : i32
      "tpu.region"() ({
        %run_scoped3A = tpu.sem_alloc : memref<!tpu.dma_semaphore, #tpu.memory_space<semaphore_mem>>
        %dma_start3A = tpu.memref_slice %arg7[%mul3A_53] : memref<10000xi32, #tpu.memory_space<vmem>> -> memref<80xi32, #tpu.memory_space<vmem>>
        %dma_start3A_98 = arith.constant 0 : i32
        %dma_start3A_99 = arith.constant 0 : i32
        %dma_start3A_100 = tpu.memref_slice %arg2[%dma_start3A_98, %dma_start3A_99] : memref<10000x128xf32, #tpu.memory_space<hbm>> -> memref<10000x128xf32, #tpu.memory_space<hbm>>
        tpu.enqueue_indirect_dma source(%dma_start3A_100 : memref<10000x128xf32, #tpu.memory_space<hbm>>) target(%arg11 : memref<80x128xf32, #tpu.memory_space<vmem>>) offsets(%dma_start3A : memref<80xi32, #tpu.memory_space<vmem>>) semaphore(%run_scoped3A : memref<!tpu.dma_semaphore, #tpu.memory_space<semaphore_mem>>)
        %dma_wait3A = tpu.memref_slice %arg7[%mul3A_53] : memref<10000xi32, #tpu.memory_space<vmem>> -> memref<80xi32, #tpu.memory_space<vmem>>
        %dma_wait3A_101 = arith.constant 0 : i32
        %dma_wait3A_102 = arith.constant 0 : i32
        %dma_wait3A_103 = tpu.memref_slice %arg2[%dma_wait3A_101, %dma_wait3A_102] : memref<10000x128xf32, #tpu.memory_space<hbm>> -> memref<10000x128xf32, #tpu.memory_space<hbm>>
        tpu.wait_indirect_dma semaphore(%run_scoped3A : memref<!tpu.dma_semaphore, #tpu.memory_space<semaphore_mem>>) src(%dma_wait3A_103 : memref<10000x128xf32, #tpu.memory_space<hbm>>) dst(%arg11 : memref<80x128xf32, #tpu.memory_space<vmem>>)
        tpu.yield
      }) : () -> ()
      %mul3A_54 = arith.constant 80 : i32
      %mul3A_55 = arith.muli %scan3A_51, %mul3A_54 : i32
      %add3A_56 = arith.constant 0 : i32
      %add3A_57 = arith.addi %mul3A_55, %add3A_56 : i32
      %get3A = arith.index_cast %add3A_57 : i32 to index
      %get3A_58 = tpu.vector_load %arg8[%get3A] {strides = array<i32>} : memref<10000xi32, #tpu.memory_space<vmem>>, vector<16xi32>,
      %swap3A = arith.constant 0 : index
      %swap3A_59 = tpu.vector_load %arg10[%swap3A] {strides = array<i32>} : memref<80xi32, #tpu.memory_space<vmem>>, vector<16xi32>,
      tpu.vector_store %arg10[%swap3A], %get3A_58 {strides = array<i32>} : memref<80xi32, #tpu.memory_space<vmem>>, vector<16xi32>,
      %mul3A_60 = arith.constant 80 : i32
      %mul3A_61 = arith.muli %scan3A_51, %mul3A_60 : i32
      %add3A_62 = arith.constant 16 : i32
      %add3A_63 = arith.addi %mul3A_61, %add3A_62 : i32
      %get3A_64 = arith.index_cast %add3A_63 : i32 to index
      %get3A_65 = tpu.vector_load %arg8[%get3A_64] {strides = array<i32>} : memref<10000xi32, #tpu.memory_space<vmem>>, vector<16xi32>,
      %swap3A_66 = arith.constant 16 : index
      %swap3A_67 = tpu.vector_load %arg10[%swap3A_66] {strides = array<i32>} : memref<80xi32, #tpu.memory_space<vmem>>, vector<16xi32>,
      tpu.vector_store %arg10[%swap3A_66], %get3A_65 {strides = array<i32>} : memref<80xi32, #tpu.memory_space<vmem>>, vector<16xi32>,
      %mul3A_68 = arith.constant 80 : i32
      %mul3A_69 = arith.muli %scan3A_51, %mul3A_68 : i32
      %add3A_70 = arith.constant 32 : i32
      %add3A_71 = arith.addi %mul3A_69, %add3A_70 : i32
      %get3A_72 = arith.index_cast %add3A_71 : i32 to index
      %get3A_73 = tpu.vector_load %arg8[%get3A_72] {strides = array<i32>} : memref<10000xi32, #tpu.memory_space<vmem>>, vector<16xi32>,
      %swap3A_74 = arith.constant 32 : index
      %swap3A_75 = tpu.vector_load %arg10[%swap3A_74] {strides = array<i32>} : memref<80xi32, #tpu.memory_space<vmem>>, vector<16xi32>,
      tpu.vector_store %arg10[%swap3A_74], %get3A_73 {strides = array<i32>} : memref<80xi32, #tpu.memory_space<vmem>>, vector<16xi32>,
      %mul3A_76 = arith.constant 80 : i32
      %mul3A_77 = arith.muli %scan3A_51, %mul3A_76 : i32
      %add3A_78 = arith.constant 48 : i32
      %add3A_79 = arith.addi %mul3A_77, %add3A_78 : i32
      %get3A_80 = arith.index_cast %add3A_79 : i32 to index
      %get3A_81 = tpu.vector_load %arg8[%get3A_80] {strides = array<i32>} : memref<10000xi32, #tpu.memory_space<vmem>>, vector<16xi32>,
      %swap3A_82 = arith.constant 48 : index
      %swap3A_83 = tpu.vector_load %arg10[%swap3A_82] {strides = array<i32>} : memref<80xi32, #tpu.memory_space<vmem>>, vector<16xi32>,
      tpu.vector_store %arg10[%swap3A_82], %get3A_81 {strides = array<i32>} : memref<80xi32, #tpu.memory_space<vmem>>, vector<16xi32>,
      %mul3A_84 = arith.constant 80 : i32
      %mul3A_85 = arith.muli %scan3A_51, %mul3A_84 : i32
      %add3A_86 = arith.constant 64 : i32
      %add3A_87 = arith.addi %mul3A_85, %add3A_86 : i32
      %get3A_88 = arith.index_cast %add3A_87 : i32 to index
      %get3A_89 = tpu.vector_load %arg8[%get3A_88] {strides = array<i32>} : memref<10000xi32, #tpu.memory_space<vmem>>, vector<16xi32>,
      %swap3A_90 = arith.constant 64 : index
      %swap3A_91 = tpu.vector_load %arg10[%swap3A_90] {strides = array<i32>} : memref<80xi32, #tpu.memory_space<vmem>>, vector<16xi32>,
      tpu.vector_store %arg10[%swap3A_90], %get3A_89 {strides = array<i32>} : memref<80xi32, #tpu.memory_space<vmem>>, vector<16xi32>,
      %scan3A_92 = arith.constant 0 : i32
      %scan3A_93 = arith.constant 0 : i32
      %scan3A_94 = arith.constant 80 : i32
      %scan3A_95 = arith.addi %scan3A_93, %scan3A_94 : i32
      %scan3A_96 = arith.constant 1 : i32
      scf.for %scan3A_98 = %scan3A_93 to %scan3A_95 step %scan3A_96  : i32 {
        %broadcast_in_dim3A = arith.constant 0 : i32
        %broadcast_in_dim3A_99 = vector.broadcast %broadcast_in_dim3A : i32 to vector<16xi32>
        %mul3A_100 = arith.constant 80 : i32
        %mul3A_101 = arith.muli %scan3A_51, %mul3A_100 : i32
        %add3A_102 = arith.addi %mul3A_101, %scan3A_98 : i32
        %add3A_103 = vector.broadcast %add3A_102 : i32 to vector<16xi32>
        %add3A_104 = arith.addi %broadcast_in_dim3A_99, %add3A_103 : vector<16xi32>
        %gather3A = tpu.vector_load_idx %arg9[%add3A_104] : memref<10000xf32, #tpu.memory_space<vmem>>[vector<16xi32>], vector<16xf32>,
        %get3A_105 = arith.index_cast %scan3A_98 : i32 to index
        %get3A_106 = arith.constant 0 : index
        %get3A_107 = tpu.vector_load %arg11[%get3A_105, %get3A_106] {strides = array<i32>} : memref<80x128xf32, #tpu.memory_space<vmem>>, vector<16xf32>,
        %mul3A_108 = arith.mulf %get3A_107, %gather3A : vector<16xf32>
        %swap3A_109 = arith.index_cast %scan3A_98 : i32 to index
        %swap3A_110 = arith.constant 0 : index
        %swap3A_111 = tpu.vector_load %arg11[%swap3A_109, %swap3A_110] {strides = array<i32>} : memref<80x128xf32, #tpu.memory_space<vmem>>, vector<16xf32>,
        tpu.vector_store %arg11[%swap3A_109, %swap3A_110], %mul3A_108 {strides = array<i32>} : memref<80x128xf32, #tpu.memory_space<vmem>>, vector<16xf32>,
        %get3A_112 = arith.index_cast %scan3A_98 : i32 to index
        %get3A_113 = arith.constant 16 : index
        %get3A_114 = tpu.vector_load %arg11[%get3A_112, %get3A_113] {strides = array<i32>} : memref<80x128xf32, #tpu.memory_space<vmem>>, vector<16xf32>,
        %mul3A_115 = arith.mulf %get3A_114, %gather3A : vector<16xf32>
        %swap3A_116 = arith.index_cast %scan3A_98 : i32 to index
        %swap3A_117 = arith.constant 16 : index
        %swap3A_118 = tpu.vector_load %arg11[%swap3A_116, %swap3A_117] {strides = array<i32>} : memref<80x128xf32, #tpu.memory_space<vmem>>, vector<16xf32>,
        tpu.vector_store %arg11[%swap3A_116, %swap3A_117], %mul3A_115 {strides = array<i32>} : memref<80x128xf32, #tpu.memory_space<vmem>>, vector<16xf32>,
        %get3A_119 = arith.index_cast %scan3A_98 : i32 to index
        %get3A_120 = arith.constant 32 : index
        %get3A_121 = tpu.vector_load %arg11[%get3A_119, %get3A_120] {strides = array<i32>} : memref<80x128xf32, #tpu.memory_space<vmem>>, vector<16xf32>,
        %mul3A_122 = arith.mulf %get3A_121, %gather3A : vector<16xf32>
        %swap3A_123 = arith.index_cast %scan3A_98 : i32 to index
        %swap3A_124 = arith.constant 32 : index
        %swap3A_125 = tpu.vector_load %arg11[%swap3A_123, %swap3A_124] {strides = array<i32>} : memref<80x128xf32, #tpu.memory_space<vmem>>, vector<16xf32>,
        tpu.vector_store %arg11[%swap3A_123, %swap3A_124], %mul3A_122 {strides = array<i32>} : memref<80x128xf32, #tpu.memory_space<vmem>>, vector<16xf32>,
        %get3A_126 = arith.index_cast %scan3A_98 : i32 to index
        %get3A_127 = arith.constant 48 : index
        %get3A_128 = tpu.vector_load %arg11[%get3A_126, %get3A_127] {strides = array<i32>} : memref<80x128xf32, #tpu.memory_space<vmem>>, vector<16xf32>,
        %mul3A_129 = arith.mulf %get3A_128, %gather3A : vector<16xf32>
        %swap3A_130 = arith.index_cast %scan3A_98 : i32 to index
        %swap3A_131 = arith.constant 48 : index
        %swap3A_132 = tpu.vector_load %arg11[%swap3A_130, %swap3A_131] {strides = array<i32>} : memref<80x128xf32, #tpu.memory_space<vmem>>, vector<16xf32>,
        tpu.vector_store %arg11[%swap3A_130, %swap3A_131], %mul3A_129 {strides = array<i32>} : memref<80x128xf32, #tpu.memory_space<vmem>>, vector<16xf32>,
        %get3A_133 = arith.index_cast %scan3A_98 : i32 to index
        %get3A_134 = arith.constant 64 : index
        %get3A_135 = tpu.vector_load %arg11[%get3A_133, %get3A_134] {strides = array<i32>} : memref<80x128xf32, #tpu.memory_space<vmem>>, vector<16xf32>,
        %mul3A_136 = arith.mulf %get3A_135, %gather3A : vector<16xf32>
        %swap3A_137 = arith.index_cast %scan3A_98 : i32 to index
        %swap3A_138 = arith.constant 64 : index
        %swap3A_139 = tpu.vector_load %arg11[%swap3A_137, %swap3A_138] {strides = array<i32>} : memref<80x128xf32, #tpu.memory_space<vmem>>, vector<16xf32>,
        tpu.vector_store %arg11[%swap3A_137, %swap3A_138], %mul3A_136 {strides = array<i32>} : memref<80x128xf32, #tpu.memory_space<vmem>>, vector<16xf32>,
        %get3A_140 = arith.index_cast %scan3A_98 : i32 to index
        %get3A_141 = arith.constant 80 : index
        %get3A_142 = tpu.vector_load %arg11[%get3A_140, %get3A_141] {strides = array<i32>} : memref<80x128xf32, #tpu.memory_space<vmem>>, vector<16xf32>,
        %mul3A_143 = arith.mulf %get3A_142, %gather3A : vector<16xf32>
        %swap3A_144 = arith.index_cast %scan3A_98 : i32 to index
        %swap3A_145 = arith.constant 80 : index
        %swap3A_146 = tpu.vector_load %arg11[%swap3A_144, %swap3A_145] {strides = array<i32>} : memref<80x128xf32, #tpu.memory_space<vmem>>, vector<16xf32>,
        tpu.vector_store %arg11[%swap3A_144, %swap3A_145], %mul3A_143 {strides = array<i32>} : memref<80x128xf32, #tpu.memory_space<vmem>>, vector<16xf32>,
        %get3A_147 = arith.index_cast %scan3A_98 : i32 to index
        %get3A_148 = arith.constant 96 : index
        %get3A_149 = tpu.vector_load %arg11[%get3A_147, %get3A_148] {strides = array<i32>} : memref<80x128xf32, #tpu.memory_space<vmem>>, vector<16xf32>,
        %mul3A_150 = arith.mulf %get3A_149, %gather3A : vector<16xf32>
        %swap3A_151 = arith.index_cast %scan3A_98 : i32 to index
        %swap3A_152 = arith.constant 96 : index
        %swap3A_153 = tpu.vector_load %arg11[%swap3A_151, %swap3A_152] {strides = array<i32>} : memref<80x128xf32, #tpu.memory_space<vmem>>, vector<16xf32>,
        tpu.vector_store %arg11[%swap3A_151, %swap3A_152], %mul3A_150 {strides = array<i32>} : memref<80x128xf32, #tpu.memory_space<vmem>>, vector<16xf32>,
        %get3A_154 = arith.index_cast %scan3A_98 : i32 to index
        %get3A_155 = arith.constant 112 : index
        %get3A_156 = tpu.vector_load %arg11[%get3A_154, %get3A_155] {strides = array<i32>} : memref<80x128xf32, #tpu.memory_space<vmem>>, vector<16xf32>,
        %mul3A_157 = arith.mulf %get3A_156, %gather3A : vector<16xf32>
        %swap3A_158 = arith.index_cast %scan3A_98 : i32 to index
        %swap3A_159 = arith.constant 112 : index
        %swap3A_160 = tpu.vector_load %arg11[%swap3A_158, %swap3A_159] {strides = array<i32>} : memref<80x128xf32, #tpu.memory_space<vmem>>, vector<16xf32>,
        tpu.vector_store %arg11[%swap3A_158, %swap3A_159], %mul3A_157 {strides = array<i32>} : memref<80x128xf32, #tpu.memory_space<vmem>>, vector<16xf32>,
      }
      %scan3A_97 = arith.constant 80 : i32
      "tpu.region"() ({
        %run_scoped3A = tpu.sem_alloc : memref<!tpu.dma_semaphore, #tpu.memory_space<semaphore_mem>>
        %dma_start3A = arith.constant 0 : i32
        %dma_start3A_98 = arith.constant 0 : i32
        %dma_start3A_99 = tpu.memref_slice %arg12[%dma_start3A, %dma_start3A_98] : memref<10240x128xf32, #tpu.memory_space<vmem_shared>> -> memref<10240x128xf32, #tpu.memory_space<vmem_shared>>
        tpu.enqueue_indirect_dma source(%arg11 : memref<80x128xf32, #tpu.memory_space<vmem>>) target(%dma_start3A_99 : memref<10240x128xf32, #tpu.memory_space<vmem_shared>>) offsets(%arg10 : memref<80xi32, #tpu.memory_space<vmem>>) semaphore(%run_scoped3A : memref<!tpu.dma_semaphore, #tpu.memory_space<semaphore_mem>>) {add = true}
        %dma_wait3A = arith.constant 0 : i32
        %dma_wait3A_100 = arith.constant 0 : i32
        %dma_wait3A_101 = tpu.memref_slice %arg12[%dma_wait3A, %dma_wait3A_100] : memref<10240x128xf32, #tpu.memory_space<vmem_shared>> -> memref<10240x128xf32, #tpu.memory_space<vmem_shared>>
        tpu.wait_indirect_dma semaphore(%run_scoped3A : memref<!tpu.dma_semaphore, #tpu.memory_space<semaphore_mem>>) src(%arg11 : memref<80x128xf32, #tpu.memory_space<vmem>>) dst(%dma_wait3A_101 : memref<10240x128xf32, #tpu.memory_space<vmem_shared>>)
        tpu.yield
      }) : () -> ()
    }
    %scan3A_45 = arith.constant 125 : i32
    %barrier3A_46 = arith.constant 0 : index
    tpu.barrier barrier_id(%barrier3A_46)
    %mul3A_47 = arith.constant 640 : i32
    %mul3A_48 = arith.muli %arg1, %mul3A_47 : i32
    %mul3A_49 = arith.constant 640 : i32
    %mul3A_50 = arith.muli %arg1, %mul3A_49 : i32
    "tpu.region"() ({
      %run_scoped3A = tpu.sem_alloc : memref<!tpu.dma_semaphore, #tpu.memory_space<semaphore_mem>>
      %dma_start3A = arith.constant 0 : i32
      %dma_start3A_51 = tpu.memref_slice %arg6[%arg0, %mul3A_50, %dma_start3A] : memref<2x10240x128xf32, #tpu.memory_space<hbm>> -> memref<1x640x128xf32, #tpu.memory_space<hbm>>
      %dma_start3A_52 = tpu.memref_squeeze %dma_start3A_51 : memref<1x640x128xf32, #tpu.memory_space<hbm>> -> memref<640x128xf32, #tpu.memory_space<hbm>>
      %dma_start3A_53 = arith.constant 0 : i32
      %dma_start3A_54 = tpu.memref_slice %arg12[%mul3A_48, %dma_start3A_53] : memref<10240x128xf32, #tpu.memory_space<vmem_shared>> -> memref<640x128xf32, #tpu.memory_space<vmem_shared>>
      tpu.enqueue_dma source(%dma_start3A_54 : memref<640x128xf32, #tpu.memory_space<vmem_shared>>) target(%dma_start3A_52 : memref<640x128xf32, #tpu.memory_space<hbm>>) target_semaphore(%run_scoped3A : memref<!tpu.dma_semaphore, #tpu.memory_space<semaphore_mem>>)
      %dma_wait3A = arith.constant 0 : i32
      %dma_wait3A_55 = tpu.memref_slice %arg6[%arg0, %mul3A_50, %dma_wait3A] : memref<2x10240x128xf32, #tpu.memory_space<hbm>> -> memref<1x640x128xf32, #tpu.memory_space<hbm>>
      %dma_wait3A_56 = tpu.memref_squeeze %dma_wait3A_55 : memref<1x640x128xf32, #tpu.memory_space<hbm>> -> memref<640x128xf32, #tpu.memory_space<hbm>>
      %dma_wait3A_57 = arith.constant 0 : i32
      %dma_wait3A_58 = tpu.memref_slice %arg12[%mul3A_48, %dma_wait3A_57] : memref<10240x128xf32, #tpu.memory_space<vmem_shared>> -> memref<640x128xf32, #tpu.memory_space<vmem_shared>>
      tpu.wait_dma2 semaphore(%run_scoped3A : memref<!tpu.dma_semaphore, #tpu.memory_space<semaphore_mem>>) src(%dma_wait3A_58 : memref<640x128xf32, #tpu.memory_space<vmem_shared>>) dst(%dma_wait3A_56 : memref<640x128xf32, #tpu.memory_space<hbm>>)
      tpu.yield
    }) : () -> ()
    return
  }
}

module attributes {stable_mosaic.version = 14 : i64} {
  func.func @_mm_body(%arg0: i32, %arg1: memref<2000x128xf32, #tpu.memory_space<vmem>>, %arg2: memref<128x128xf32, #tpu.memory_space<vmem>>, %arg3: memref<2000x128xf32, #tpu.memory_space<vmem>>) attributes {dimension_semantics = [#tpu.dimension_semantics<arbitrary>], iteration_bounds = array<i64: 5>, scalar_prefetch = 0 : i64, scratch_operands = 0 : i64, tpu.core_type = #tpu.core_type<tc>, window_params = [{transform_indices = @transform_0, window_bounds = array<i64: 2000, 128>}, {pipeline_mode = #tpu.pipeline_mode<synchronous>, transform_indices = @transform_1, window_bounds = array<i64: 128, 128>}, {transform_indices = @transform_2, window_bounds = array<i64: 2000, 128>}]} {
    %get3A = arith.constant 0 : index
    %get3A_0 = arith.constant 0 : index
    %get3A_1 = vector.load %arg1[%get3A, %get3A_0] : memref<2000x128xf32, #tpu.memory_space<vmem>>, vector<2000x128xf32>
    %get3A_2 = arith.constant 0 : index
    %get3A_3 = arith.constant 0 : index
    %get3A_4 = vector.load %arg2[%get3A_2, %get3A_3] : memref<128x128xf32, #tpu.memory_space<vmem>>, vector<128x128xf32>
    %dot_general3A = arith.constant dense<0.000000e+00> : vector<2000x128xf32>
    %dot_general3A_5 = tpu.matmul %get3A_1, %get3A_4, %dot_general3A {dimension_numbers = #tpu.dot_dimension_numbers<[1], [1], [0], [0], [0, 0, 1, 0], [], []>, transpose_lhs_hint = false} : vector<2000x128xf32>, vector<128x128xf32>, vector<2000x128xf32> -> vector<2000x128xf32>
    %swap3A = arith.constant 0 : index
    %swap3A_6 = arith.constant 0 : index
    %swap3A_7 = vector.load %arg3[%swap3A, %swap3A_6] : memref<2000x128xf32, #tpu.memory_space<vmem>>, vector<2000x128xf32>
    tpu.vector_store %arg3[%swap3A, %swap3A_6], %dot_general3A_5 {strides = array<i32>} : memref<2000x128xf32, #tpu.memory_space<vmem>>, vector<2000x128xf32>,
    return
  }
  func.func @transform_0(%arg0: i32) -> (i32, i32) {
    %c0_i32 = arith.constant 0 : i32
    %c0_i32_0 = arith.constant 0 : i32
    return %arg0, %c0_i32 : i32, i32
  }
  func.func @transform_1(%arg0: i32) -> (i32, i32) {
    %c0_i32 = arith.constant 0 : i32
    %c0_i32_0 = arith.constant 0 : i32
    %c0_i32_1 = arith.constant 0 : i32
    return %c0_i32, %c0_i32_0 : i32, i32
  }
  func.func @transform_2(%arg0: i32) -> (i32, i32) {
    %c0_i32 = arith.constant 0 : i32
    %c0_i32_0 = arith.constant 0 : i32
    return %arg0, %c0_i32 : i32, i32
  }
}

module attributes {stable_mosaic.version = 14 : i64} {
  func.func @_upd_sig_body(%arg0: i32, %arg1: memref<2x2000x128xf32, #tpu.memory_space<vmem>>, %arg2: memref<2000x128xf32, #tpu.memory_space<vmem>>, %arg3: memref<1x128xf32, #tpu.memory_space<vmem>>, %arg4: memref<2000x128xf32, #tpu.memory_space<vmem>>) attributes {dimension_semantics = [#tpu.dimension_semantics<arbitrary>], iteration_bounds = array<i64: 5>, scalar_prefetch = 0 : i64, scratch_operands = 0 : i64, tpu.core_type = #tpu.core_type<tc>, window_params = [{transform_indices = @transform_0, window_bounds = array<i64: 2, 2000, 128>}, {transform_indices = @transform_1, window_bounds = array<i64: 2000, 128>}, {pipeline_mode = #tpu.pipeline_mode<synchronous>, transform_indices = @transform_2, window_bounds = array<i64: 1, 128>}, {transform_indices = @transform_3, window_bounds = array<i64: 2000, 128>}]} {
    %get3A = arith.constant 0 : index
    %get3A_0 = arith.constant 0 : index
    %get3A_1 = arith.constant 0 : index
    %get3A_2 = vector.load %arg1[%get3A, %get3A_0, %get3A_1] : memref<2x2000x128xf32, #tpu.memory_space<vmem>>, vector<1x2000x128xf32>
    %get3A_3 = vector.shape_cast %get3A_2 : vector<1x2000x128xf32> to vector<2000x128xf32>
    %get3A_4 = arith.constant 1 : index
    %get3A_5 = arith.constant 0 : index
    %get3A_6 = arith.constant 0 : index
    %get3A_7 = vector.load %arg1[%get3A_4, %get3A_5, %get3A_6] : memref<2x2000x128xf32, #tpu.memory_space<vmem>>, vector<1x2000x128xf32>
    %get3A_8 = vector.shape_cast %get3A_7 : vector<1x2000x128xf32> to vector<2000x128xf32>
    %add3A = arith.addf %get3A_3, %get3A_8 : vector<2000x128xf32>
    %get3A_9 = arith.constant 0 : index
    %get3A_10 = arith.constant 0 : index
    %get3A_11 = vector.load %arg2[%get3A_9, %get3A_10] : memref<2000x128xf32, #tpu.memory_space<vmem>>, vector<2000x128xf32>
    %add3A_12 = arith.addf %add3A, %get3A_11 : vector<2000x128xf32>
    %get3A_13 = arith.constant 0 : index
    %get3A_14 = arith.constant 0 : index
    %get3A_15 = vector.load %arg3[%get3A_13, %get3A_14] : memref<1x128xf32, #tpu.memory_space<vmem>>, vector<1x128xf32>
    %add3A_16 = vector.broadcast %get3A_15 : vector<1x128xf32> to vector<2000x128xf32>
    %add3A_17 = arith.addf %add3A_12, %add3A_16 : vector<2000x128xf32>
    %logistic3A = arith.negf %add3A_17 : vector<2000x128xf32>
    %logistic3A_18 = math.exp %logistic3A : vector<2000x128xf32>
    %logistic3A_19 = arith.constant 1.000000e+00 : f32
    %logistic3A_20 = vector.broadcast %logistic3A_19 : f32 to vector<2000x128xf32>
    %logistic3A_21 = arith.addf %logistic3A_20, %logistic3A_18 : vector<2000x128xf32>
    %logistic3A_22 = arith.divf %logistic3A_20, %logistic3A_21 : vector<2000x128xf32>
    %swap3A = arith.constant 0 : index
    %swap3A_23 = arith.constant 0 : index
    %swap3A_24 = vector.load %arg4[%swap3A, %swap3A_23] : memref<2000x128xf32, #tpu.memory_space<vmem>>, vector<2000x128xf32>
    tpu.vector_store %arg4[%swap3A, %swap3A_23], %logistic3A_22 {strides = array<i32>} : memref<2000x128xf32, #tpu.memory_space<vmem>>, vector<2000x128xf32>,
    return
  }
  func.func @transform_0(%arg0: i32) -> (i32, i32, i32) {
    %c0_i32 = arith.constant 0 : i32
    %c0_i32_0 = arith.constant 0 : i32
    %c0_i32_1 = arith.constant 0 : i32
    return %c0_i32, %arg0, %c0_i32_0 : i32, i32, i32
  }
  func.func @transform_1(%arg0: i32) -> (i32, i32) {
    %c0_i32 = arith.constant 0 : i32
    %c0_i32_0 = arith.constant 0 : i32
    return %arg0, %c0_i32 : i32, i32
  }
  func.func @transform_2(%arg0: i32) -> (i32, i32) {
    %c0_i32 = arith.constant 0 : i32
    %c0_i32_0 = arith.constant 0 : i32
    %c0_i32_1 = arith.constant 0 : i32
    return %c0_i32, %c0_i32_0 : i32, i32
  }
  func.func @transform_3(%arg0: i32) -> (i32, i32) {
    %c0_i32 = arith.constant 0 : i32
    %c0_i32_0 = arith.constant 0 : i32
    return %arg0, %c0_i32 : i32, i32
  }
}

module attributes {stable_mosaic.version = 14 : i64} {
  func.func @_upd_mm_body(%arg0: i32, %arg1: memref<2x2000x128xf32, #tpu.memory_space<vmem>>, %arg2: memref<2000x128xf32, #tpu.memory_space<vmem>>, %arg3: memref<1x128xf32, #tpu.memory_space<vmem>>, %arg4: memref<128x128xf32, #tpu.memory_space<vmem>>, %arg5: memref<2000x128xf32, #tpu.memory_space<vmem>>) attributes {dimension_semantics = [#tpu.dimension_semantics<arbitrary>], iteration_bounds = array<i64: 5>, scalar_prefetch = 0 : i64, scratch_operands = 0 : i64, tpu.core_type = #tpu.core_type<tc>, window_params = [{transform_indices = @transform_0, window_bounds = array<i64: 2, 2000, 128>}, {transform_indices = @transform_1, window_bounds = array<i64: 2000, 128>}, {pipeline_mode = #tpu.pipeline_mode<synchronous>, transform_indices = @transform_2, window_bounds = array<i64: 1, 128>}, {pipeline_mode = #tpu.pipeline_mode<synchronous>, transform_indices = @transform_3, window_bounds = array<i64: 128, 128>}, {transform_indices = @transform_4, window_bounds = array<i64: 2000, 128>}]} {
    %get3A = arith.constant 0 : index
    %get3A_0 = arith.constant 0 : index
    %get3A_1 = arith.constant 0 : index
    %get3A_2 = vector.load %arg1[%get3A, %get3A_0, %get3A_1] : memref<2x2000x128xf32, #tpu.memory_space<vmem>>, vector<1x2000x128xf32>
    %get3A_3 = vector.shape_cast %get3A_2 : vector<1x2000x128xf32> to vector<2000x128xf32>
    %get3A_4 = arith.constant 1 : index
    %get3A_5 = arith.constant 0 : index
    %get3A_6 = arith.constant 0 : index
    %get3A_7 = vector.load %arg1[%get3A_4, %get3A_5, %get3A_6] : memref<2x2000x128xf32, #tpu.memory_space<vmem>>, vector<1x2000x128xf32>
    %get3A_8 = vector.shape_cast %get3A_7 : vector<1x2000x128xf32> to vector<2000x128xf32>
    %add3A = arith.addf %get3A_3, %get3A_8 : vector<2000x128xf32>
    %get3A_9 = arith.constant 0 : index
    %get3A_10 = arith.constant 0 : index
    %get3A_11 = vector.load %arg2[%get3A_9, %get3A_10] : memref<2000x128xf32, #tpu.memory_space<vmem>>, vector<2000x128xf32>
    %add3A_12 = arith.addf %add3A, %get3A_11 : vector<2000x128xf32>
    %get3A_13 = arith.constant 0 : index
    %get3A_14 = arith.constant 0 : index
    %get3A_15 = vector.load %arg3[%get3A_13, %get3A_14] : memref<1x128xf32, #tpu.memory_space<vmem>>, vector<1x128xf32>
    %add3A_16 = vector.broadcast %get3A_15 : vector<1x128xf32> to vector<2000x128xf32>
    %add3A_17 = arith.addf %add3A_12, %add3A_16 : vector<2000x128xf32>
    %logistic3A = arith.negf %add3A_17 : vector<2000x128xf32>
    %logistic3A_18 = math.exp %logistic3A : vector<2000x128xf32>
    %logistic3A_19 = arith.constant 1.000000e+00 : f32
    %logistic3A_20 = vector.broadcast %logistic3A_19 : f32 to vector<2000x128xf32>
    %logistic3A_21 = arith.addf %logistic3A_20, %logistic3A_18 : vector<2000x128xf32>
    %logistic3A_22 = arith.divf %logistic3A_20, %logistic3A_21 : vector<2000x128xf32>
    %get3A_23 = arith.constant 0 : index
    %get3A_24 = arith.constant 0 : index
    %get3A_25 = vector.load %arg4[%get3A_23, %get3A_24] : memref<128x128xf32, #tpu.memory_space<vmem>>, vector<128x128xf32>
    %dot_general3A = arith.constant dense<0.000000e+00> : vector<2000x128xf32>
    %dot_general3A_26 = tpu.matmul %logistic3A_22, %get3A_25, %dot_general3A {dimension_numbers = #tpu.dot_dimension_numbers<[1], [1], [0], [0], [0, 0, 1, 0], [], []>, transpose_lhs_hint = false} : vector<2000x128xf32>, vector<128x128xf32>, vector<2000x128xf32> -> vector<2000x128xf32>
    %swap3A = arith.constant 0 : index
    %swap3A_27 = arith.constant 0 : index
    %swap3A_28 = vector.load %arg5[%swap3A, %swap3A_27] : memref<2000x128xf32, #tpu.memory_space<vmem>>, vector<2000x128xf32>
    tpu.vector_store %arg5[%swap3A, %swap3A_27], %dot_general3A_26 {strides = array<i32>} : memref<2000x128xf32, #tpu.memory_space<vmem>>, vector<2000x128xf32>,
    return
  }
  func.func @transform_0(%arg0: i32) -> (i32, i32, i32) {
    %c0_i32 = arith.constant 0 : i32
    %c0_i32_0 = arith.constant 0 : i32
    %c0_i32_1 = arith.constant 0 : i32
    return %c0_i32, %arg0, %c0_i32_0 : i32, i32, i32
  }
  func.func @transform_1(%arg0: i32) -> (i32, i32) {
    %c0_i32 = arith.constant 0 : i32
    %c0_i32_0 = arith.constant 0 : i32
    return %arg0, %c0_i32 : i32, i32
  }
  func.func @transform_2(%arg0: i32) -> (i32, i32) {
    %c0_i32 = arith.constant 0 : i32
    %c0_i32_0 = arith.constant 0 : i32
    %c0_i32_1 = arith.constant 0 : i32
    return %c0_i32, %c0_i32_0 : i32, i32
  }
  func.func @transform_3(%arg0: i32) -> (i32, i32) {
    %c0_i32 = arith.constant 0 : i32
    %c0_i32_0 = arith.constant 0 : i32
    %c0_i32_1 = arith.constant 0 : i32
    return %c0_i32, %c0_i32_0 : i32, i32
  }
  func.func @transform_4(%arg0: i32) -> (i32, i32) {
    %c0_i32 = arith.constant 0 : i32
    %c0_i32_0 = arith.constant 0 : i32
    return %arg0, %c0_i32 : i32, i32
  }
}

</mosaic_0001>

<sc_bundles>
// kernel: kernel.11.cloned.1.call-start
scs
__scs_entry_jumppad:
0x0: {  	(pc) =	sbr.rel $0x88, $3  }
0x1: {  	(tag) =	ssettag $0x0;
	lr =	simm.s32 $0x1  }
0x2: {  	[smem:$0x3F9A] =	sst lr;
	_ =	strace $0xD0000000  }
0x3: {  	_ = 	snop  }
0x4: {  	_ = 	snop  }
0x5: {  	_ = 	snop  }
0x6: {  	_ = 	snop  }
0x7: {  	_ = 	snop  }
__scs_overlays_trampoline_lowered:
0x8: {  	[smem:$0x3FA9] =	sst s0  }
0x9: {  	[smem:$0x3FAA] =	sst s1  }
0xa: {  	[smem:$0x3FAB] =	sst s2  }
0xb: {  	[smem:$0x3FAC] =	sst s3  }
0xc: {  	[smem:$0x3FAD] =	sst s4  }
0xd: {  	[smem:$0x3FAE] =	sst s5  }
0xe: {  	[smem:$0x3FAF] =	sst s6  }
0xf: {  	[smem:$0x3FB0] =	sst s7  }
0x10: {  	[smem:$0x3FB1] =	sst s8  }
0x11: {  	[smem:$0x3FB2] =	sst s9;
	s0 =	simm.s32 @!p0 $0x0  }
0x12: {  	s1 =	sld [smem:$0x3F98];
	s0 =	simm.s32 @p0 $0x1  }
0x13: {  	[smem:$0x3FB3] =	sst s0;
	s0 =	simm.s32 @!p1 $0x0  }
0x14: {  	s2 =	sld [smem:$0x3F97];
	s0 =	simm.s32 @p1 $0x1  }
0x15: {  	[smem:$0x3FB4] =	sst s0;
	s0 =	simm.s32 @!p2 $0x0  }
0x16: {  	s3 =	sld [smem:$0x3FDB];
	s0 =	simm.s32 @p2 $0x1  }
0x17: {  	s4 =	simm.s32 $0x1BF5;
	[smem:$0x3FB6] =	sst s0  }
0x18: {  	s0 =	sld [smem:$0x3F99];
	_ =	swait.ge [sflag:s4], $0x0  }
0x19: {  	s7 =	sld [smem:$0x3F9A]  }
0x1a: {  	s8 =	sadd.s32 $0xFFFFE003, lr  }
0x1b: {  	s9 =	sadd.s32 $0xFFFFFEF7, lr;
	s5 =	simm.s32 $0xFFFFFFFF;
	p2 =	slt.u32 s8, $0xFFFFF086  }
0x1c: {  	p1 =	slt.u32 s9, $0xF7A;
	s5 =	simm.s32 @!p2 $0x0  }
0x1d: {  	s5 =	simm.s32 @p1 $0x1;
	p0 =	seq.s32 s7, s2  }
0x1e: {  	s7 =	smul.u32 @!p0 $0xF7A, s2;
	p2 =	seq.s32 @!p0 s5, $0x0  }
0x1f: {  	s9 =	smul.u32 $0xF7A, s1;
	s8 =	simm.s32 @!p0 $0x1BF5;
	p2 =	por !p2, p0  }
0x20: {  	[sflag:s8] =	ssyncset.s32 @!p0 $0xFFFFF086;
	s6 =	sadd.s32 @!p0 s3, s7;
	s7 =	simm.s32 @!p0 $0x108  }
0x21: {  	s3 =	sadd.s32 s3, s9;
	s6 =	sadd.s32 @!p0 $0x88, s6;
	s7 =	simm.s32 @p2 $0x1082  }
0x22: {  	[simem:s7], [sflag:s8] =	dma.local @!p0 [hbm:s6], $0xF7A  }
0x23: {  	s9 =	sor.u32 $0xD0000000, s2;
	s6 =	simm.s32 $0x108;
	_ =	swait.ge @!p0 [sflag:s8], $0x0  }
0x24: {  	s3 =	sadd.s32 $0x88, s3;
	s6 =	simm.s32 @!p1 $0x1082;
	[sflag:s4] =	ssyncset.s32 $0xFFFFF086  }
0x25: {  	[simem:s6], [sflag:s4] =	dma.local [hbm:s3], $0xF7A  }
0x26: {  	[smem:$0x3F9A] =	sst s1;
	(tag) =	ssettag s2;
	_ =	strace s9  }
0x27: {  	s1 =	sld [smem:$0x3FAA]  }
0x28: {  	s2 =	sld [smem:$0x3FAB]  }
0x29: {  	s4 =	sld [smem:$0x3FAD]  }
0x2a: {  	p0 =	seq.s32 s5, $0x0;
	s5 =	sld [smem:$0x3FAE]  }
0x2b: {  	s6 =	sld [smem:$0x3FAF]  }
0x2c: {  	s7 =	sld [smem:$0x3FB0]  }
0x2d: {  	s3 =	simm.s32 $0x108;
	s8 =	sld [smem:$0x3FB1]  }
0x2e: {  	s3 =	simm.s32 @!p0 $0x1082;
	s9 =	sld [smem:$0x3FB2]  }
0x2f: {  	lr =	sadd.s32 s0, s3;
	s0 =	sld [smem:$0x3FA9]  }
0x30: {  	s3 =	sld [smem:$0x3FAC]  }
0x31: {  	[smem:$0x3FB5] =	sst s10  }
0x32: {  	s10 =	sld [smem:$0x3FB3];
	_ =	sdelay $0x3  }
0x33: {  	p0 =	seq.s32 s10, $0x1;
	s10 =	sld [smem:$0x3FB5];
	_ =	sdelay $0x3  }
0x34: {  	[smem:$0x3FB5] =	sst s10  }
0x35: {  	s10 =	sld [smem:$0x3FB4];
	_ =	sdelay $0x3  }
0x36: {  	p1 =	seq.s32 s10, $0x1;
	s10 =	sld [smem:$0x3FB5];
	_ =	sdelay $0x3  }
0x37: {  	[smem:$0x3FB5] =	sst s10  }
0x38: {  	s10 =	sld [smem:$0x3FB6]  }
0x39: {  	_ = 	snop;
	(pc) =	sbr.ind lr, $3  }
0x3a: {  	_ = 	snop  }
0x3b: {  	_ = 	snop  }
0x3c: {  	p2 =	seq.s32 s10, $0x1;
	s10 =	sld [smem:$0x3FB5]  }
0x3d: {  	_ =	shalt  }
0x3e: {  	_ =	shalt  }
0x3f: {  	_ =	shalt  }
0x40: {  	_ =	shalt  }
0x41: {  	_ =	shalt  }
0x42: {  	_ =	shalt  }
0x43: {  	_ =	shalt  }
0x44: {  	_ =	shalt  }
0x45: {  	_ =	shalt  }
0x46: {  	_ =	shalt  }
0x47: {  	_ =	shalt  }
0x48: {  	_ =	shalt  }
0x49: {  	_ =	shalt  }
0x4a: {  	_ =	shalt  }
0x4b: {  	_ =	shalt  }
0x4c: {  	_ =	shalt  }
0x4d: {  	_ =	shalt  }
0x4e: {  	_ =	shalt  }
0x4f: {  	_ =	shalt  }
0x50: {  	_ =	shalt  }
0x51: {  	_ =	shalt  }
0x52: {  	_ =	shalt  }
0x53: {  	_ =	shalt  }
0x54: {  	_ =	shalt  }
0x55: {  	_ =	shalt  }
0x56: {  	_ =	shalt  }
0x57: {  	_ =	shalt  }
0x58: {  	_ =	shalt  }
0x59: {  	_ =	shalt  }
0x5a: {  	_ =	shalt  }
0x5b: {  	_ =	shalt  }
0x5c: {  	_ =	shalt  }
0x5d: {  	_ =	shalt  }
0x5e: {  	_ =	shalt  }
0x5f: {  	_ =	shalt  }
0x60: {  	_ =	shalt  }
0x61: {  	_ =	shalt  }
0x62: {  	_ =	shalt  }
0x63: {  	_ =	shalt  }
0x64: {  	_ =	shalt  }
0x65: {  	_ =	shalt  }
0x66: {  	_ =	shalt  }
0x67: {  	_ =	shalt  }
0x68: {  	_ =	shalt  }
0x69: {  	_ =	shalt  }
0x6a: {  	_ =	shalt  }
0x6b: {  	_ =	shalt  }
0x6c: {  	_ =	shalt  }
0x6d: {  	_ =	shalt  }
0x6e: {  	_ =	shalt  }
0x6f: {  	_ =	shalt  }
0x70: {  	_ =	shalt  }
0x71: {  	_ =	shalt  }
0x72: {  	_ =	shalt  }
0x73: {  	_ =	shalt  }
0x74: {  	_ =	shalt  }
0x75: {  	_ =	shalt  }
0x76: {  	_ =	shalt  }
0x77: {  	_ =	shalt  }
0x78: {  	_ =	shalt  }
0x79: {  	_ =	shalt  }
0x7a: {  	_ =	shalt  }
0x7b: {  	_ =	shalt  }
0x7c: {  	_ =	shalt  }
0x7d: {  	_ =	shalt  }
0x7e: {  	_ =	shalt  }
0x7f: {  	_ =	shalt  }
0x80: {  	_ =	shalt  }
0x81: {  	_ =	shalt  }
0x82: {  	_ =	shalt  }
0x83: {  	_ =	shalt  }
0x84: {  	_ =	shalt  }
0x85: {  	_ =	shalt  }
0x86: {  	_ =	shalt  }
0x87: {  	_ =	shalt  }
.Lfunc_end0:
.L_simem_size_0:
called_computation.1_lowered:
.L_overlay_start_0:
0x88: {  	s2 =	sld [smem:$0x3FD9]  }
0x89: {  	s3 =	sld [smem:$0x3FFE];
	_ =	sdelay $0x1  }
0x8a: {  	s1 =	srdreg.scid  }
0x8b: {  	s0 =	sand.u32 $0x1, s1  }
0x8c: {  	s17 =	sshll.u32 s0, $0xA;
	s2 =	sadd.s32 s3, s2  }
0x8d: {  	s2 =	sadd.s32 s2, s17  }
0x8e: {  	[smem:$0x3FC1] =	sst s2  }
0x8f: {  	_ = 	snop  }
0x90: {  	s2 =	sld [smem:$0x3FD0];
	(tm) =	ssettm $0x1  }
0x91: {  	s18 =	sld [smem:$0x3FFB];
	_ =	sdelay $0x3  }
0x92: {  	_ =	strace s18  }
0x93: {  	s3 =	sld [smem:$0x3FFC];
	_ =	sdelay $0x3  }
0x94: {  	_ =	strace s3  }
0x95: {  	s3 =	sld [smem:$0x3FFD];
	_ =	sdelay $0x3  }
0x96: {  	_ =	strace s3  }
0x97: {  	_ =	strace $0x8FFFFFFF  }
0x98: {  	s19 =	sld [smem:$0x3FDB];
	_ =	sdelay $0x1  }
0x99: {  	s4 =	simm.s32 $_scs_section_size  }
0x9a: {  	s5 =	simm.s32 $_size__tile_overlayer_lowered;
	s6 =	simm.s32 $_tile_overlayer_lowered  }
0x9b: {  	s22 =	simm.s32 $0x1BFF;
	s21 =	sshll.u32 s6, $0x1;
	s3 =	sadd.s32 s4, s19  }
0x9c: {  	s7 =	simm.s32 $0x0;
	s20 =	sshll.u32 s5, $0x1;
	s5 =	sadd.s32 s21, s3  }
0x9d: {  	[timem:s7], [sflag:s22] =	dma.local [hbm:s5], s20  }
0x9e: {  	_ =	swait.ge [sflag:s22], s20  }
0x9f: {  	s4 =	ssub.s32 $0x0, s20;
	[sflag:s22] =	ssyncset.done $0x0  }
0xa0: {  	[sflag:s22] =	ssyncadd.s32 s4;
	_ =	sdelay $0x1  }
0xa1: {  	s23 =	simm.s32 $0x1B8B  }
0xa2: {  	_ =	swait.ge [sflag:s23], $0x1  }
0xa3: {  	[sflag:s23] =	ssyncset.done $0x0  }
0xa4: {  	s25 =	simm.s32 $0x1B8E;
	s24 =	sld [smem:$0x3FFE];
	[sflag:s23] =	ssyncadd.s32 $0xFFFFFFFF  }
0xa5: {  	s26 =	simm.s32 $execute0_lowered;
	[smem:$0x3FD2] =	sst s25  }
0xa6: {  	s5 =	sshll.u32 s26, $0x1;
	_ =	strace $0x80000049;
	[dreg:$0x1] =	wrdreg $0xFFFFFFFF  }
0xa7: {  	s28 =	simm.s32 $_size_execute0_lowered;
	s3 =	sadd.s32 s3, s5;
	[dreg:$0x0] =	wrdreg $0x0  }
0xa8: {  	s5 =	sshll.u32 s28, $0x1;
	[dreg:$0x2] =	wrdreg s3  }
0xa9: {  	[dreg:$0x3] =	wrdreg s5  }
0xaa: {  	[dreg:$0x4] =	wrdreg $0xC0  }
0xab: {  	_ =	task [dreg:s7], $0x5FFFF  }
0xac: {  	[dreg:$0x1] =	wrdreg $0xFFFFFFFF  }
0xad: {  	[dreg:$0x0] =	wrdreg $0x60  }
0xae: {  	[dreg:$0x2] =	wrdreg s2  }
0xaf: {  	[dreg:$0x3] =	wrdreg s24  }
0xb0: {  	[dreg:$0x4] =	wrdreg $0x9F000  }
0xb1: {  	[dreg:$0x5] =	wrdreg $0x9  }
0xb2: {  	_ =	task.clear_ibuf [dreg:s7], $0x6FFFF;
	_ =	strace $0x90000049  }
0xb3: {  	s29 =	simm.s32 $0x9;
	_ =	strace $0x8000004B  }
0xb4: {  	_ =	swait.ge [sflag:s29], $0x1  }
0xb5: {  	[sflag:s29] =	ssyncadd.s32 $0xFFFFFFFF  }
0xb6: {  	_ =	strace $0x9000004B  }
0xb7: {  	_ =	sfence  }
0xb8: {  	s30 =	sld [smem:$0x0];
	_ =	sdelay $0x2  }
0xb9: {  	s31 =	sshll.u32 s1, $0xD;
	s1 =	sshrl.u32 s1, $0x2  }
0xba: {  	s3 =	sand.u32 $0x4000, s31;
	s1 =	sadd.s32 s1, s30  }
0xbb: {  	s0 =	sor.u32 s3, s0;
	s1 =	sshll.u32 s1, $0x11  }
0xbc: {  	s0 =	sor.u32 s1, s0  }
0xbd: {  	s0 =	sadd.s32 $0x8F2B, s0  }
0xbe: {  	[sflag:s0] =	ssyncadd.remote.s32 $0x1  }
0xbf: {  	_ =	sfence.sel $0xFFFF  }
0xc0: {  	[dreg:$0x0] =	wrdreg $0xFFFFFFFF;
	(pc) =	sbr.abs _section_cstart, $3  }
0xc1: {  	[dreg:$0x1] =	wrdreg $0xFFFFFFFF  }
0xc2: {  	_ =	task.clear_ibuf [dreg:s7], $0x2FFFF;
	_ =	strace $0x9FFFFFFF  }
0xc3: {  	(tm) =	ssettm $0x7FFFFFFF  }
tec
execute0_lowered:
.L_overlay_start_1:
0x0: {  	(tag) =	ssettag $0x1  }
0x1: {  	s1 =	rddreg [dreg:$0x0]  }
0x2: {  	s5 =	rddreg [dreg:$0x1]  }
0x3: {  	s3 =	rddreg [dreg:$0x2]  }
0x4: {  	s2 =	srdreg.scid;
	s4 =	simm.s32 $0x0;
	s18 =	simm.s32 $0x1  }
0x5: {  	s19 =	simm.s32 $0x2780;
	s20 =	simm.s32 $0x4F00;
	s21 =	simm.s32 $0x7700  }
0x6: {  	s22 =	simm.s32 $0x50;
	s23 =	simm.s32 $0x7680;
	s6 =	sand.u32 $0x1, s2  }
0x7: {  	s25 =	simm.s32 $0x0;
	s2 =	stileid.u32;
	s7 =	smul.u32 $0x140000, s6  }
0x8: {  	[smem:$0x7FF] =	sst s4;
	s8 =	sshll.u32 s2, $0x1;
	s9 =	smul.u32 $0x14000, s2  }
0x9: {  	_ =	strace $0x8000004A;
	s30 =	smul.u32 $0x50000, s2;
	s8 =	sor.u32 s6, s8  }
0xa: {  	s24 =	sshll.u32 s2, $0x6;
	s6 =	ssub.s32 $0x2, s6;
	s8 =	smul.u32 $0x4E2, s8  }
0xb: {  	s24 =	sor.u32 $0x1C01, s24;
	s7 =	sadd.s32 s9, s7;
	s31 =	sshrl.u32 s6, $0x1  }
0xc: {  	s9 =	sshrl.u32 s30, $0x2;
	s7 =	sshrl.u32 s7, $0x3;
	s8 =	sadd.s32 s8, s5  }
0xd: {  	s17 =	ssub.s32 s6, s31;
	s16 =	sadd.s32 s7, s5;
	s5 =	sadd.s32 $0xC400, s8  }
0xe: {  	s6 =	sadd.s32 $0x2600, s8;
	s7 =	sadd.s32 $0x16200, s8;
	s8 =	sadd.s32 s9, s3  }
0xf: {  	s17 =	smax.u32 s17, $0x1;
	s16 =	sadd.s32 $0x20000, s16;
	s9 =	sadd.s32 $0x2800, s8  }
0x10: {  	s10 =	sadd.s32 $0x5000, s8;
	s11 =	sadd.s32 $0x7800, s8;
	s12 =	sadd.s32 $0xA000, s8  }
0x11: {  	v0 =	vimm.f32 $0.0e+00;
	s13 =	sadd.s32 $0xC800, s8;
	s14 =	sadd.s32 $0xF000, s8;
	s15 =	sadd.s32 $0x11800, s8  }
.LBB2_1:
0x12: {  	[tilespmem:s4], [sflag:$0x1] =	stream.linear.gather [hbm4b:s5+s4], $0x2710, $0x38;
	[tilespmem:$0x1DF00] =	vst v63  }
0x13: {  	_ =	swait.ge [sflag:s18], $0x2710  }
0x14: {  	[sflag:s18] =	ssyncset.done $0x0  }
0x15: {  	[sflag:s18] =	ssyncadd.s32 $0xFFFFD8F0  }
0x16: {  	[tilespmem:s19], [sflag:$0x1] =	stream.linear.gather [hbm4b:s6+s4], $0x2710, $0x38;
	[tilespmem:$0x1DF00] =	vst v63  }
0x17: {  	_ =	swait.ge [sflag:s18], $0x2710  }
0x18: {  	[sflag:s18] =	ssyncset.done $0x0  }
0x19: {  	[sflag:s18] =	ssyncadd.s32 $0xFFFFD8F0  }
0x1a: {  	[tilespmem:s20], [sflag:$0x1] =	stream.linear.gather [hbm4b:s7+s4], $0x2710, $0x38;
	[tilespmem:$0x1DF00] =	vst v63  }
0x1b: {  	_ =	swait.ge [sflag:s18], $0x2710  }
0x1c: {  	[sflag:s18] =	ssyncset.done $0x0  }
0x1d: {  	s26 =	simm.s32 $0x0;
	s28 =	simm.s32 $0x200;
	[sflag:s18] =	ssyncadd.s32 $0xFFFFD8F0  }
.LBB2_2:
0x1e: {  	p0 =	sne.s32 s28, $0x9E00;
	[tilespmem:s26+$0x7770] =	vst v0  }
0x1f: {  	[tilespmem:s26+$0x7700] =	vst v0  }
0x20: {  	[tilespmem:s26+$0x7710] =	vst v0  }
.Ltmp0:
0x21: {  	[tilespmem:s26+$0x7720] =	vst v0;
	(pc) =	sbr.rel @p0 .LBB2_2-.Ltmp0, $4  }
0x22: {  	[tilespmem:s26+$0x7730] =	vst v0  }
0x23: {  	[tilespmem:s26+$0x7740] =	vst v0  }
0x24: {  	[tilespmem:s26+$0x7750] =	vst v0  }
0x25: {  	[tilespmem:s26+$0x7760] =	vst v0;
	s26 =	sshra.s32 s28, $0x2;
	s28 =	sadd.s32 $0x200, s28  }
0x26: {  	[tilespmem:s26+$0x7770] =	vst v0  }
0x27: {  	[tilespmem:s26+$0x7700] =	vst v0  }
0x28: {  	[tilespmem:s26+$0x7710] =	vst v0  }
0x29: {  	[tilespmem:s26+$0x7720] =	vst v0  }
0x2a: {  	[tilespmem:s26+$0x7730] =	vst v0  }
0x2b: {  	[tilespmem:s26+$0x7740] =	vst v0  }
0x2c: {  	[tilespmem:s26+$0x7750] =	vst v0  }
0x2d: {  	[tilespmem:s26+$0x7760] =	vst v0  }
0x2e: {  	[spmem:s8] =	stream.linear.scatter [tilespmem:s21], [sflag:$0x1], $0x2800, $0x38;
	[tilespmem:$0x1DF00] =	vst v63  }
0x2f: {  	_ =	swait.ge [sflag:s18], $0x2800  }
0x30: {  	[sflag:s18] =	ssyncset.done $0x0  }
0x31: {  	[sflag:s18] =	ssyncadd.s32 $0xFFFFD800  }
0x32: {  	[spmem:s9] =	stream.linear.scatter [tilespmem:s21], [sflag:$0x1], $0x2800, $0x38;
	[tilespmem:$0x1DF00] =	vst v63  }
0x33: {  	_ =	swait.ge [sflag:s18], $0x2800  }
0x34: {  	[sflag:s18] =	ssyncset.done $0x0  }
0x35: {  	[sflag:s18] =	ssyncadd.s32 $0xFFFFD800  }
0x36: {  	[spmem:s10] =	stream.linear.scatter [tilespmem:s21], [sflag:$0x1], $0x2800, $0x38;
	[tilespmem:$0x1DF00] =	vst v63  }
0x37: {  	_ =	swait.ge [sflag:s18], $0x2800  }
0x38: {  	[sflag:s18] =	ssyncset.done $0x0  }
0x39: {  	[sflag:s18] =	ssyncadd.s32 $0xFFFFD800  }
0x3a: {  	[spmem:s11] =	stream.linear.scatter [tilespmem:s21], [sflag:$0x1], $0x2800, $0x38;
	[tilespmem:$0x1DF00] =	vst v63  }
0x3b: {  	_ =	swait.ge [sflag:s18], $0x2800  }
0x3c: {  	[sflag:s18] =	ssyncset.done $0x0  }
0x3d: {  	[sflag:s18] =	ssyncadd.s32 $0xFFFFD800  }
0x3e: {  	[spmem:s12] =	stream.linear.scatter [tilespmem:s21], [sflag:$0x1], $0x2800, $0x38;
	[tilespmem:$0x1DF00] =	vst v63  }
0x3f: {  	_ =	swait.ge [sflag:s18], $0x2800  }
0x40: {  	[sflag:s18] =	ssyncset.done $0x0  }
0x41: {  	[sflag:s18] =	ssyncadd.s32 $0xFFFFD800  }
0x42: {  	[spmem:s13] =	stream.linear.scatter [tilespmem:s21], [sflag:$0x1], $0x2800, $0x38;
	[tilespmem:$0x1DF00] =	vst v63  }
0x43: {  	_ =	swait.ge [sflag:s18], $0x2800  }
0x44: {  	[sflag:s18] =	ssyncset.done $0x0  }
0x45: {  	[sflag:s18] =	ssyncadd.s32 $0xFFFFD800  }
0x46: {  	[spmem:s14] =	stream.linear.scatter [tilespmem:s21], [sflag:$0x1], $0x2800, $0x38;
	[tilespmem:$0x1DF00] =	vst v63  }
0x47: {  	_ =	swait.ge [sflag:s18], $0x2800  }
0x48: {  	[sflag:s18] =	ssyncset.done $0x0  }
0x49: {  	[sflag:s18] =	ssyncadd.s32 $0xFFFFD800  }
0x4a: {  	[spmem:s15] =	stream.linear.scatter [tilespmem:s21], [sflag:$0x1], $0x2800, $0x38;
	[tilespmem:$0x1DF00] =	vst v63  }
0x4b: {  	_ =	swait.ge [sflag:s18], $0x2800  }
0x4c: {  	[sflag:s18] =	ssyncset.done $0x0  }
0x4d: {  	[sflag:s18] =	ssyncadd.s32 $0xFFFFD800  }
0x4e: {  	s26 =	simm.s32 $0x0;
	s28 =	simm.s32 $0x0;
	[bflag:$0x0] =	sbarrier.arrive $0xFFFF  }
.LBB2_4:
0x4f: {  	s29 =	smul.u32 $0x50, s28;
	_ =	sdelay $0x1  }
0x50: {  	[tilespmem:s21], [sflag:$0x1] =	stream.indirect.gather [hbm4b:s1+s22], $0x80, s29, s22, $0xb8;
	[tilespmem:$0x1DF00] =	vst v63  }
0x51: {  	_ =	swait.ge [sflag:s18], $0x2800  }
0x52: {  	[sflag:s18] =	ssyncset.done $0x0  }
0x53: {  	[sflag:s18] =	ssyncadd.s32 $0xFFFFD800  }
0x54: {  	v1 =	vld [tilespmem:s29+$0x2780];
	_ =	sdelay $0x4  }
0x55: {  	[tilespmem:$0x7680] =	vst v1  }
0x56: {  	v1 =	vld [tilespmem:s29+$0x2790];
	_ =	sdelay $0x4  }
0x57: {  	[tilespmem:$0x7690] =	vst v1  }
0x58: {  	v1 =	vld [tilespmem:s29+$0x27A0];
	_ =	sdelay $0x4  }
0x59: {  	[tilespmem:$0x76A0] =	vst v1  }
0x5a: {  	v1 =	vld [tilespmem:s29+$0x27B0];
	_ =	sdelay $0x4  }
0x5b: {  	[tilespmem:$0x76B0] =	vst v1  }
0x5c: {  	v1 =	vld [tilespmem:s29+$0x27C0];
	_ =	sdelay $0x2  }
0x5d: {  	s29 =	sadd.s32 $0x0, s26  }
0x5e: {  	v2 =	vmov s29  }
0x5f: {  	s29 =	simm.s32 $0x7740;
	[tilespmem:$0x76C0] =	vst v1  }
0x60: {  	v5 =	vld [tilespmem:s29+$0x30]  }
0x61: {  	v8 =	vld [tilespmem:s29+$0x10]  }
0x62: {  	v6 =	vld [tilespmem:s29+$0xFFFFFFC0]  }
0x63: {  	v2 =	vld.idx.msk [tilespmem:v2+s20+$0x0], $0xffff  }
0x64: {  	v10 =	vld [tilespmem:s29+$0xFFFFFFE0]  }
0x65: {  	v1 =	vld [tilespmem:s29+$0xFFFFFFF0]  }
0x66: {  	v3 =	vld [tilespmem:s29+$0x20]  }
0x67: {  	v4 =	vld [tilespmem:s29+$0xFFFFFFD0]  }
0x68: {  	v9 =	vmul.f32 v5, v2;
	v5 =	vld [tilespmem:s29+$0x0]  }
0x69: {  	v7 =	vmul.f32 v6, v2  }
0x6a: {  	s30 =	simm.s32 $0x1;
	s31 =	simm.s32 $0x7740;
	v6 =	vmul.f32 v10, v2;
	v8 =	vmul.f32 v8, v2  }
.LBB2_5:
0x6b: {  	p0 =	sne.s32 s30, $0x4F  }
0x6c: {  	v4 =	vmul.f32 v4, v2;
	v3 =	vmul.f32 v3, v2;
	[tilespmem:s29+$0x30] =	vst v9;
	s31 =	sadd.s32 $0x80, s31;
	s0 =	smov.u32 s30;
	s30 =	sadd.s32 $0x1, s30  }
0x6d: {  	[tilespmem:s29+$0xFFFFFFC0] =	vst v7;
	v7 =	vmul.f32 v1, v2;
	v2 =	vmul.f32 v5, v2  }
0x6e: {  	s0 =	sadd.s32 s0, s26;
	[tilespmem:s29+$0x10] =	vst v8  }
0x6f: {  	v5 =	vmov s0;
	[tilespmem:s29+$0xFFFFFFE0] =	vst v6  }
0x70: {  	v1 =	vld [tilespmem:s31+$0xFFFFFFF0];
	[tilespmem:s29+$0xFFFFFFF0] =	vst v7  }
0x71: {  	v6 =	vld [tilespmem:s31+$0x30];
	[tilespmem:s29+$0x0] =	vst v2  }
0x72: {  	v8 =	vld [tilespmem:s31+$0x10];
	[tilespmem:s29+$0x20] =	vst v3  }
0x73: {  	v7 =	vld [tilespmem:s31+$0xFFFFFFC0];
	[tilespmem:s29+$0xFFFFFFD0] =	vst v4;
	s29 =	smov.u32 s31  }
0x74: {  	v2 =	vld.idx.msk [tilespmem:v5+s20+$0x0], $0xffff  }
0x75: {  	v10 =	vld [tilespmem:s31+$0xFFFFFFE0]  }
0x76: {  	v3 =	vld [tilespmem:s31+$0x20]  }
.Ltmp1:
0x77: {  	v4 =	vld [tilespmem:s31+$0xFFFFFFD0];
	(pc) =	sbr.rel @p0 .LBB2_5-.Ltmp1, $3  }
0x78: {  	v5 =	vld [tilespmem:s31+$0x0];
	_ =	sdelay $0x1  }
0x79: {  	v7 =	vmul.f32 v7, v2;
	v9 =	vmul.f32 v6, v2  }
0x7a: {  	v8 =	vmul.f32 v8, v2;
	v6 =	vmul.f32 v10, v2  }
0x7b: {  	[tilespmem:s29+$0x30] =	vst v9  }
0x7c: {  	[tilespmem:s29+$0xFFFFFFC0] =	vst v7  }
0x7d: {  	v1 =	vmul.f32 v1, v2;
	[tilespmem:s29+$0x10] =	vst v8  }
0x7e: {  	v3 =	vmul.f32 v3, v2;
	[tilespmem:s29+$0xFFFFFFE0] =	vst v6  }
0x7f: {  	v5 =	vmul.f32 v5, v2;
	[tilespmem:s29+$0xFFFFFFF0] =	vst v1  }
0x80: {  	s28 =	sadd.s32 $0x1, s28;
	v1 =	vmul.f32 v4, v2;
	[tilespmem:s29+$0x20] =	vst v3  }
0x81: {  	p0 =	sne.s32 s28, $0x7D;
	[tilespmem:s29+$0x0] =	vst v5  }
.Ltmp2:
0x82: {  	[tilespmem:s29+$0xFFFFFFD0] =	vst v1;
	(pc) =	sbr.rel @p0 .LBB2_4-.Ltmp2, $4  }
0x83: {  	[spmem:s3] =	stream.indirect.scatter.add.f32 [tilespmem:s21], [sflag:$0x1], $0x80, s23, s22, $0xb8;
	[tilespmem:$0x1DF00] =	vst v63  }
0x84: {  	_ =	swait.ge [sflag:s18], $0x2800  }
0x85: {  	[sflag:s18] =	ssyncset.done $0x0  }
0x86: {  	s26 =	sadd.s32 $0x50, s26;
	[sflag:s18] =	ssyncadd.s32 $0xFFFFD800  }
0x87: {  	s25 =	sadd.s32 $0x1, s25  }
0x88: {  	p0 =	sne.s32 s25, s17  }
.Ltmp3:
0x89: {  	[bflag:$0x0] =	sbarrier.arrive $0xFFFF;
	s0 =	sshrl.u32 s8, $0x3;
	(pc) =	sbr.rel @p0 .LBB2_1-.Ltmp3, $4  }
0x8a: {  	[hbm:s16], [sflag:s24] =	dma.local [spmem:s0], $0x2800  }
0x8b: {  	_ =	swait.ge [sflag:s18], $0x2800  }
0x8c: {  	[sflag:s18] =	ssyncset.done $0x0  }
0x8d: {  	[sflag:s18] =	ssyncadd.s32 $0xFFFFD800  }
0x8e: {  	_ =	sfence.sel $0x180000  }
0x8f: {  	[bflag:$0x0] =	sbarrier.arrive $0xFFFF  }
0x90: {  	_ =	strace $0x9000004A  }
0x91: {  	[bflag:$0x2] =	sbarrier.arrive $0xFFFF  }
0x92: {  	p0 =	sne.s32 s2, $0x0;
	s0 =	rddreg [dreg:$0x3]  }
0x93: {  	s0 =	sadd.s32 @!p0 $0x100000, s0  }
0x94: {  	[sflag:s0] =	ssyncadd.tile.s32 @!p0 $0x1;
	_ =	shalt  }
.Lfunc_end2:
_tile_overlayer_lowered:
.L_overlay_start_2:
0x95: {  	(tag) =	ssettag $0x2  }
0x96: {  	s0 =	rddreg [dreg:$0x0];
	s2 =	stileid.u32  }
0x97: {  	s1 =	rddreg [dreg:$0x1];
	p0 =	sne.s32 s2, $0x0  }
0x98: {  	s3 =	rddreg [dreg:$0x2];
	[bflag:$0x3] =	sbarrier.arrive $0xFFFF;
	s2 =	simm.s32 @!p0 $0x1C01  }
0x99: {  	[timem:s3], [sflag:s2] =	dma.local @!p0 [hbm:s0], s1  }
0x9a: {  	s0 =	simm.s32 @!p0 $0x1  }
0x9b: {  	_ =	swait.ge @!p0 [sflag:s0], s1  }
0x9c: {  	s1 =	ssub.s32 @!p0 $0x0, s1;
	[sflag:s0] =	ssyncset.done @!p0 $0x0  }
0x9d: {  	[sflag:s0] =	ssyncadd.s32 @!p0 s1  }
0x9e: {  	[bflag:$0x3] =	sbarrier.arrive $0xFFFF  }
0x9f: {  	_ =	shalt  }

// kernel: kernel.14.cloned.1.call-start
scs
__scs_entry_jumppad:
0x0: {  	(pc) =	sbr.rel $0x88, $3  }
0x1: {  	(tag) =	ssettag $0x0;
	lr =	simm.s32 $0x1  }
0x2: {  	[smem:$0x3F9A] =	sst lr;
	_ =	strace $0xD0000000  }
0x3: {  	_ = 	snop  }
0x4: {  	_ = 	snop  }
0x5: {  	_ = 	snop  }
0x6: {  	_ = 	snop  }
0x7: {  	_ = 	snop  }
__scs_overlays_trampoline_lowered:
0x8: {  	[smem:$0x3FA9] =	sst s0  }
0x9: {  	[smem:$0x3FAA] =	sst s1  }
0xa: {  	[smem:$0x3FAB] =	sst s2  }
0xb: {  	[smem:$0x3FAC] =	sst s3  }
0xc: {  	[smem:$0x3FAD] =	sst s4  }
0xd: {  	[smem:$0x3FAE] =	sst s5  }
0xe: {  	[smem:$0x3FAF] =	sst s6  }
0xf: {  	[smem:$0x3FB0] =	sst s7  }
0x10: {  	[smem:$0x3FB1] =	sst s8  }
0x11: {  	[smem:$0x3FB2] =	sst s9;
	s0 =	simm.s32 @!p0 $0x0  }
0x12: {  	s1 =	sld [smem:$0x3F98];
	s0 =	simm.s32 @p0 $0x1  }
0x13: {  	[smem:$0x3FB3] =	sst s0;
	s0 =	simm.s32 @!p1 $0x0  }
0x14: {  	s2 =	sld [smem:$0x3F97];
	s0 =	simm.s32 @p1 $0x1  }
0x15: {  	[smem:$0x3FB4] =	sst s0;
	s0 =	simm.s32 @!p2 $0x0  }
0x16: {  	s3 =	sld [smem:$0x3FDB];
	s0 =	simm.s32 @p2 $0x1  }
0x17: {  	s4 =	simm.s32 $0x1BF5;
	[smem:$0x3FB6] =	sst s0  }
0x18: {  	s0 =	sld [smem:$0x3F99];
	_ =	swait.ge [sflag:s4], $0x0  }
0x19: {  	s7 =	sld [smem:$0x3F9A]  }
0x1a: {  	s8 =	sadd.s32 $0xFFFFE003, lr  }
0x1b: {  	s9 =	sadd.s32 $0xFFFFFEF7, lr;
	s5 =	simm.s32 $0xFFFFFFFF;
	p2 =	slt.u32 s8, $0xFFFFF086  }
0x1c: {  	p1 =	slt.u32 s9, $0xF7A;
	s5 =	simm.s32 @!p2 $0x0  }
0x1d: {  	s5 =	simm.s32 @p1 $0x1;
	p0 =	seq.s32 s7, s2  }
0x1e: {  	s7 =	smul.u32 @!p0 $0xF7A, s2;
	p2 =	seq.s32 @!p0 s5, $0x0  }
0x1f: {  	s9 =	smul.u32 $0xF7A, s1;
	s8 =	simm.s32 @!p0 $0x1BF5;
	p2 =	por !p2, p0  }
0x20: {  	[sflag:s8] =	ssyncset.s32 @!p0 $0xFFFFF086;
	s6 =	sadd.s32 @!p0 s3, s7;
	s7 =	simm.s32 @!p0 $0x108  }
0x21: {  	s3 =	sadd.s32 s3, s9;
	s6 =	sadd.s32 @!p0 $0x88, s6;
	s7 =	simm.s32 @p2 $0x1082  }
0x22: {  	[simem:s7], [sflag:s8] =	dma.local @!p0 [hbm:s6], $0xF7A  }
0x23: {  	s9 =	sor.u32 $0xD0000000, s2;
	s6 =	simm.s32 $0x108;
	_ =	swait.ge @!p0 [sflag:s8], $0x0  }
0x24: {  	s3 =	sadd.s32 $0x88, s3;
	s6 =	simm.s32 @!p1 $0x1082;
	[sflag:s4] =	ssyncset.s32 $0xFFFFF086  }
0x25: {  	[simem:s6], [sflag:s4] =	dma.local [hbm:s3], $0xF7A  }
0x26: {  	[smem:$0x3F9A] =	sst s1;
	(tag) =	ssettag s2;
	_ =	strace s9  }
0x27: {  	s1 =	sld [smem:$0x3FAA]  }
0x28: {  	s2 =	sld [smem:$0x3FAB]  }
0x29: {  	s4 =	sld [smem:$0x3FAD]  }
0x2a: {  	p0 =	seq.s32 s5, $0x0;
	s5 =	sld [smem:$0x3FAE]  }
0x2b: {  	s6 =	sld [smem:$0x3FAF]  }
0x2c: {  	s7 =	sld [smem:$0x3FB0]  }
0x2d: {  	s3 =	simm.s32 $0x108;
	s8 =	sld [smem:$0x3FB1]  }
0x2e: {  	s3 =	simm.s32 @!p0 $0x1082;
	s9 =	sld [smem:$0x3FB2]  }
0x2f: {  	lr =	sadd.s32 s0, s3;
	s0 =	sld [smem:$0x3FA9]  }
0x30: {  	s3 =	sld [smem:$0x3FAC]  }
0x31: {  	[smem:$0x3FB5] =	sst s10  }
0x32: {  	s10 =	sld [smem:$0x3FB3];
	_ =	sdelay $0x3  }
0x33: {  	p0 =	seq.s32 s10, $0x1;
	s10 =	sld [smem:$0x3FB5];
	_ =	sdelay $0x3  }
0x34: {  	[smem:$0x3FB5] =	sst s10  }
0x35: {  	s10 =	sld [smem:$0x3FB4];
	_ =	sdelay $0x3  }
0x36: {  	p1 =	seq.s32 s10, $0x1;
	s10 =	sld [smem:$0x3FB5];
	_ =	sdelay $0x3  }
0x37: {  	[smem:$0x3FB5] =	sst s10  }
0x38: {  	s10 =	sld [smem:$0x3FB6]  }
0x39: {  	_ = 	snop;
	(pc) =	sbr.ind lr, $3  }
0x3a: {  	_ = 	snop  }
0x3b: {  	_ = 	snop  }
0x3c: {  	p2 =	seq.s32 s10, $0x1;
	s10 =	sld [smem:$0x3FB5]  }
0x3d: {  	_ =	shalt  }
0x3e: {  	_ =	shalt  }
0x3f: {  	_ =	shalt  }
0x40: {  	_ =	shalt  }
0x41: {  	_ =	shalt  }
0x42: {  	_ =	shalt  }
0x43: {  	_ =	shalt  }
0x44: {  	_ =	shalt  }
0x45: {  	_ =	shalt  }
0x46: {  	_ =	shalt  }
0x47: {  	_ =	shalt  }
0x48: {  	_ =	shalt  }
0x49: {  	_ =	shalt  }
0x4a: {  	_ =	shalt  }
0x4b: {  	_ =	shalt  }
0x4c: {  	_ =	shalt  }
0x4d: {  	_ =	shalt  }
0x4e: {  	_ =	shalt  }
0x4f: {  	_ =	shalt  }
0x50: {  	_ =	shalt  }
0x51: {  	_ =	shalt  }
0x52: {  	_ =	shalt  }
0x53: {  	_ =	shalt  }
0x54: {  	_ =	shalt  }
0x55: {  	_ =	shalt  }
0x56: {  	_ =	shalt  }
0x57: {  	_ =	shalt  }
0x58: {  	_ =	shalt  }
0x59: {  	_ =	shalt  }
0x5a: {  	_ =	shalt  }
0x5b: {  	_ =	shalt  }
0x5c: {  	_ =	shalt  }
0x5d: {  	_ =	shalt  }
0x5e: {  	_ =	shalt  }
0x5f: {  	_ =	shalt  }
0x60: {  	_ =	shalt  }
0x61: {  	_ =	shalt  }
0x62: {  	_ =	shalt  }
0x63: {  	_ =	shalt  }
0x64: {  	_ =	shalt  }
0x65: {  	_ =	shalt  }
0x66: {  	_ =	shalt  }
0x67: {  	_ =	shalt  }
0x68: {  	_ =	shalt  }
0x69: {  	_ =	shalt  }
0x6a: {  	_ =	shalt  }
0x6b: {  	_ =	shalt  }
0x6c: {  	_ =	shalt  }
0x6d: {  	_ =	shalt  }
0x6e: {  	_ =	shalt  }
0x6f: {  	_ =	shalt  }
0x70: {  	_ =	shalt  }
0x71: {  	_ =	shalt  }
0x72: {  	_ =	shalt  }
0x73: {  	_ =	shalt  }
0x74: {  	_ =	shalt  }
0x75: {  	_ =	shalt  }
0x76: {  	_ =	shalt  }
0x77: {  	_ =	shalt  }
0x78: {  	_ =	shalt  }
0x79: {  	_ =	shalt  }
0x7a: {  	_ =	shalt  }
0x7b: {  	_ =	shalt  }
0x7c: {  	_ =	shalt  }
0x7d: {  	_ =	shalt  }
0x7e: {  	_ =	shalt  }
0x7f: {  	_ =	shalt  }
0x80: {  	_ =	shalt  }
0x81: {  	_ =	shalt  }
0x82: {  	_ =	shalt  }
0x83: {  	_ =	shalt  }
0x84: {  	_ =	shalt  }
0x85: {  	_ =	shalt  }
0x86: {  	_ =	shalt  }
0x87: {  	_ =	shalt  }
.Lfunc_end0:
.L_simem_size_0:
called_computation.2_lowered:
.L_overlay_start_0:
0x88: {  	s2 =	sld [smem:$0x3FD9]  }
0x89: {  	s3 =	sld [smem:$0x3FFE];
	_ =	sdelay $0x1  }
0x8a: {  	s1 =	srdreg.scid  }
0x8b: {  	s0 =	sand.u32 $0x1, s1  }
0x8c: {  	s17 =	sshll.u32 s0, $0xA;
	s2 =	sadd.s32 s3, s2  }
0x8d: {  	s2 =	sadd.s32 s2, s17  }
0x8e: {  	[smem:$0x3FC1] =	sst s2  }
0x8f: {  	_ = 	snop  }
0x90: {  	s2 =	sld [smem:$0x3FD0];
	(tm) =	ssettm $0x1  }
0x91: {  	s18 =	sld [smem:$0x3FFB];
	_ =	sdelay $0x3  }
0x92: {  	_ =	strace s18  }
0x93: {  	s3 =	sld [smem:$0x3FFC];
	_ =	sdelay $0x3  }
0x94: {  	_ =	strace s3  }
0x95: {  	s3 =	sld [smem:$0x3FFD];
	_ =	sdelay $0x3  }
0x96: {  	_ =	strace s3  }
0x97: {  	_ =	strace $0x8FFFFFFF  }
0x98: {  	s19 =	sld [smem:$0x3FDB];
	_ =	sdelay $0x1  }
0x99: {  	s4 =	simm.s32 $_scs_section_size  }
0x9a: {  	s5 =	simm.s32 $_size__tile_overlayer_lowered;
	s6 =	simm.s32 $_tile_overlayer_lowered  }
0x9b: {  	s22 =	simm.s32 $0x1BFF;
	s21 =	sshll.u32 s6, $0x1;
	s3 =	sadd.s32 s4, s19  }
0x9c: {  	s7 =	simm.s32 $0x0;
	s20 =	sshll.u32 s5, $0x1;
	s5 =	sadd.s32 s21, s3  }
0x9d: {  	[timem:s7], [sflag:s22] =	dma.local [hbm:s5], s20  }
0x9e: {  	_ =	swait.ge [sflag:s22], s20  }
0x9f: {  	s4 =	ssub.s32 $0x0, s20;
	[sflag:s22] =	ssyncset.done $0x0  }
0xa0: {  	[sflag:s22] =	ssyncadd.s32 s4;
	_ =	sdelay $0x1  }
0xa1: {  	s23 =	simm.s32 $0x1B8B  }
0xa2: {  	_ =	swait.ge [sflag:s23], $0x1  }
0xa3: {  	[sflag:s23] =	ssyncset.done $0x0  }
0xa4: {  	s25 =	simm.s32 $0x1B8E;
	s24 =	sld [smem:$0x3FFE];
	[sflag:s23] =	ssyncadd.s32 $0xFFFFFFFF  }
0xa5: {  	s26 =	simm.s32 $execute0_lowered;
	[smem:$0x3FD2] =	sst s25  }
0xa6: {  	s5 =	sshll.u32 s26, $0x1;
	_ =	strace $0x8000004C;
	[dreg:$0x1] =	wrdreg $0xFFFFFFFF  }
0xa7: {  	s28 =	simm.s32 $_size_execute0_lowered;
	s3 =	sadd.s32 s3, s5;
	[dreg:$0x0] =	wrdreg $0x0  }
0xa8: {  	s5 =	sshll.u32 s28, $0x1;
	[dreg:$0x2] =	wrdreg s3  }
0xa9: {  	[dreg:$0x3] =	wrdreg s5  }
0xaa: {  	[dreg:$0x4] =	wrdreg $0xC0  }
0xab: {  	_ =	task [dreg:s7], $0x5FFFF  }
0xac: {  	[dreg:$0x1] =	wrdreg $0xFFFFFFFF  }
0xad: {  	[dreg:$0x0] =	wrdreg $0x60  }
0xae: {  	[dreg:$0x2] =	wrdreg s2  }
0xaf: {  	[dreg:$0x3] =	wrdreg s24  }
0xb0: {  	[dreg:$0x4] =	wrdreg $0x9F000  }
0xb1: {  	[dreg:$0x5] =	wrdreg $0x9  }
0xb2: {  	_ =	task.clear_ibuf [dreg:s7], $0x6FFFF;
	_ =	strace $0x9000004C  }
0xb3: {  	s29 =	simm.s32 $0x9;
	_ =	strace $0x8000004E  }
0xb4: {  	_ =	swait.ge [sflag:s29], $0x1  }
0xb5: {  	[sflag:s29] =	ssyncadd.s32 $0xFFFFFFFF  }
0xb6: {  	_ =	strace $0x9000004E  }
0xb7: {  	_ =	sfence  }
0xb8: {  	s30 =	sld [smem:$0x0];
	_ =	sdelay $0x2  }
0xb9: {  	s31 =	sshll.u32 s1, $0xD;
	s1 =	sshrl.u32 s1, $0x2  }
0xba: {  	s3 =	sand.u32 $0x4000, s31;
	s1 =	sadd.s32 s1, s30  }
0xbb: {  	s0 =	sor.u32 s3, s0;
	s1 =	sshll.u32 s1, $0x11  }
0xbc: {  	s0 =	sor.u32 s1, s0  }
0xbd: {  	s0 =	sadd.s32 $0x8F2B, s0  }
0xbe: {  	[sflag:s0] =	ssyncadd.remote.s32 $0x1  }
0xbf: {  	_ =	sfence.sel $0xFFFF  }
0xc0: {  	[dreg:$0x0] =	wrdreg $0xFFFFFFFF;
	(pc) =	sbr.abs _section_cstart, $3  }
0xc1: {  	[dreg:$0x1] =	wrdreg $0xFFFFFFFF  }
0xc2: {  	_ =	task.clear_ibuf [dreg:s7], $0x2FFFF;
	_ =	strace $0x9FFFFFFF  }
0xc3: {  	(tm) =	ssettm $0x7FFFFFFF  }
tec
execute0_lowered:
.L_overlay_start_1:
0x0: {  	(tag) =	ssettag $0x1  }
0x1: {  	s1 =	rddreg [dreg:$0x0]  }
0x2: {  	s5 =	rddreg [dreg:$0x1]  }
0x3: {  	s3 =	rddreg [dreg:$0x2]  }
0x4: {  	s2 =	srdreg.scid;
	s4 =	simm.s32 $0x0;
	s18 =	simm.s32 $0x1  }
0x5: {  	s19 =	simm.s32 $0x2780;
	s20 =	simm.s32 $0x4F00;
	s21 =	simm.s32 $0x7700  }
0x6: {  	s22 =	simm.s32 $0x50;
	s23 =	simm.s32 $0x7680;
	s6 =	sand.u32 $0x1, s2  }
0x7: {  	s25 =	simm.s32 $0x0;
	s2 =	stileid.u32;
	s7 =	smul.u32 $0x140000, s6  }
0x8: {  	[smem:$0x7FF] =	sst s4;
	s8 =	sshll.u32 s2, $0x1;
	s9 =	smul.u32 $0x14000, s2  }
0x9: {  	_ =	strace $0x8000004D;
	s30 =	smul.u32 $0x50000, s2;
	s8 =	sor.u32 s6, s8  }
0xa: {  	s24 =	sshll.u32 s2, $0x6;
	s6 =	ssub.s32 $0x2, s6;
	s8 =	smul.u32 $0x4E2, s8  }
0xb: {  	s24 =	sor.u32 $0x1C01, s24;
	s7 =	sadd.s32 s9, s7;
	s31 =	sshrl.u32 s6, $0x1  }
0xc: {  	s9 =	sshrl.u32 s30, $0x2;
	s7 =	sshrl.u32 s7, $0x3;
	s8 =	sadd.s32 s8, s5  }
0xd: {  	s17 =	ssub.s32 s6, s31;
	s16 =	sadd.s32 s7, s5;
	s5 =	sadd.s32 $0xC400, s8  }
0xe: {  	s6 =	sadd.s32 $0x2600, s8;
	s7 =	sadd.s32 $0x16200, s8;
	s8 =	sadd.s32 s9, s3  }
0xf: {  	s17 =	smax.u32 s17, $0x1;
	s16 =	sadd.s32 $0x20000, s16;
	s9 =	sadd.s32 $0x2800, s8  }
0x10: {  	s10 =	sadd.s32 $0x5000, s8;
	s11 =	sadd.s32 $0x7800, s8;
	s12 =	sadd.s32 $0xA000, s8  }
0x11: {  	v0 =	vimm.f32 $0.0e+00;
	s13 =	sadd.s32 $0xC800, s8;
	s14 =	sadd.s32 $0xF000, s8;
	s15 =	sadd.s32 $0x11800, s8  }
.LBB2_1:
0x12: {  	[tilespmem:s4], [sflag:$0x1] =	stream.linear.gather [hbm4b:s5+s4], $0x2710, $0x38;
	[tilespmem:$0x1DF00] =	vst v63  }
0x13: {  	_ =	swait.ge [sflag:s18], $0x2710  }
0x14: {  	[sflag:s18] =	ssyncset.done $0x0  }
0x15: {  	[sflag:s18] =	ssyncadd.s32 $0xFFFFD8F0  }
0x16: {  	[tilespmem:s19], [sflag:$0x1] =	stream.linear.gather [hbm4b:s6+s4], $0x2710, $0x38;
	[tilespmem:$0x1DF00] =	vst v63  }
0x17: {  	_ =	swait.ge [sflag:s18], $0x2710  }
0x18: {  	[sflag:s18] =	ssyncset.done $0x0  }
0x19: {  	[sflag:s18] =	ssyncadd.s32 $0xFFFFD8F0  }
0x1a: {  	[tilespmem:s20], [sflag:$0x1] =	stream.linear.gather [hbm4b:s7+s4], $0x2710, $0x38;
	[tilespmem:$0x1DF00] =	vst v63  }
0x1b: {  	_ =	swait.ge [sflag:s18], $0x2710  }
0x1c: {  	[sflag:s18] =	ssyncset.done $0x0  }
0x1d: {  	s26 =	simm.s32 $0x0;
	s28 =	simm.s32 $0x200;
	[sflag:s18] =	ssyncadd.s32 $0xFFFFD8F0  }
.LBB2_2:
0x1e: {  	p0 =	sne.s32 s28, $0x9E00;
	[tilespmem:s26+$0x7770] =	vst v0  }
0x1f: {  	[tilespmem:s26+$0x7700] =	vst v0  }
0x20: {  	[tilespmem:s26+$0x7710] =	vst v0  }
.Ltmp0:
0x21: {  	[tilespmem:s26+$0x7720] =	vst v0;
	(pc) =	sbr.rel @p0 .LBB2_2-.Ltmp0, $4  }
0x22: {  	[tilespmem:s26+$0x7730] =	vst v0  }
0x23: {  	[tilespmem:s26+$0x7740] =	vst v0  }
0x24: {  	[tilespmem:s26+$0x7750] =	vst v0  }
0x25: {  	[tilespmem:s26+$0x7760] =	vst v0;
	s26 =	sshra.s32 s28, $0x2;
	s28 =	sadd.s32 $0x200, s28  }
0x26: {  	[tilespmem:s26+$0x7770] =	vst v0  }
0x27: {  	[tilespmem:s26+$0x7700] =	vst v0  }
0x28: {  	[tilespmem:s26+$0x7710] =	vst v0  }
0x29: {  	[tilespmem:s26+$0x7720] =	vst v0  }
0x2a: {  	[tilespmem:s26+$0x7730] =	vst v0  }
0x2b: {  	[tilespmem:s26+$0x7740] =	vst v0  }
0x2c: {  	[tilespmem:s26+$0x7750] =	vst v0  }
0x2d: {  	[tilespmem:s26+$0x7760] =	vst v0  }
0x2e: {  	[spmem:s8] =	stream.linear.scatter [tilespmem:s21], [sflag:$0x1], $0x2800, $0x38;
	[tilespmem:$0x1DF00] =	vst v63  }
0x2f: {  	_ =	swait.ge [sflag:s18], $0x2800  }
0x30: {  	[sflag:s18] =	ssyncset.done $0x0  }
0x31: {  	[sflag:s18] =	ssyncadd.s32 $0xFFFFD800  }
0x32: {  	[spmem:s9] =	stream.linear.scatter [tilespmem:s21], [sflag:$0x1], $0x2800, $0x38;
	[tilespmem:$0x1DF00] =	vst v63  }
0x33: {  	_ =	swait.ge [sflag:s18], $0x2800  }
0x34: {  	[sflag:s18] =	ssyncset.done $0x0  }
0x35: {  	[sflag:s18] =	ssyncadd.s32 $0xFFFFD800  }
0x36: {  	[spmem:s10] =	stream.linear.scatter [tilespmem:s21], [sflag:$0x1], $0x2800, $0x38;
	[tilespmem:$0x1DF00] =	vst v63  }
0x37: {  	_ =	swait.ge [sflag:s18], $0x2800  }
0x38: {  	[sflag:s18] =	ssyncset.done $0x0  }
0x39: {  	[sflag:s18] =	ssyncadd.s32 $0xFFFFD800  }
0x3a: {  	[spmem:s11] =	stream.linear.scatter [tilespmem:s21], [sflag:$0x1], $0x2800, $0x38;
	[tilespmem:$0x1DF00] =	vst v63  }
0x3b: {  	_ =	swait.ge [sflag:s18], $0x2800  }
0x3c: {  	[sflag:s18] =	ssyncset.done $0x0  }
0x3d: {  	[sflag:s18] =	ssyncadd.s32 $0xFFFFD800  }
0x3e: {  	[spmem:s12] =	stream.linear.scatter [tilespmem:s21], [sflag:$0x1], $0x2800, $0x38;
	[tilespmem:$0x1DF00] =	vst v63  }
0x3f: {  	_ =	swait.ge [sflag:s18], $0x2800  }
0x40: {  	[sflag:s18] =	ssyncset.done $0x0  }
0x41: {  	[sflag:s18] =	ssyncadd.s32 $0xFFFFD800  }
0x42: {  	[spmem:s13] =	stream.linear.scatter [tilespmem:s21], [sflag:$0x1], $0x2800, $0x38;
	[tilespmem:$0x1DF00] =	vst v63  }
0x43: {  	_ =	swait.ge [sflag:s18], $0x2800  }
0x44: {  	[sflag:s18] =	ssyncset.done $0x0  }
0x45: {  	[sflag:s18] =	ssyncadd.s32 $0xFFFFD800  }
0x46: {  	[spmem:s14] =	stream.linear.scatter [tilespmem:s21], [sflag:$0x1], $0x2800, $0x38;
	[tilespmem:$0x1DF00] =	vst v63  }
0x47: {  	_ =	swait.ge [sflag:s18], $0x2800  }
0x48: {  	[sflag:s18] =	ssyncset.done $0x0  }
0x49: {  	[sflag:s18] =	ssyncadd.s32 $0xFFFFD800  }
0x4a: {  	[spmem:s15] =	stream.linear.scatter [tilespmem:s21], [sflag:$0x1], $0x2800, $0x38;
	[tilespmem:$0x1DF00] =	vst v63  }
0x4b: {  	_ =	swait.ge [sflag:s18], $0x2800  }
0x4c: {  	[sflag:s18] =	ssyncset.done $0x0  }
0x4d: {  	[sflag:s18] =	ssyncadd.s32 $0xFFFFD800  }
0x4e: {  	s26 =	simm.s32 $0x0;
	s28 =	simm.s32 $0x0;
	[bflag:$0x0] =	sbarrier.arrive $0xFFFF  }
.LBB2_4:
0x4f: {  	s29 =	smul.u32 $0x50, s28;
	_ =	sdelay $0x1  }
0x50: {  	[tilespmem:s21], [sflag:$0x1] =	stream.indirect.gather [hbm4b:s1+s22], $0x80, s29, s22, $0xb8;
	[tilespmem:$0x1DF00] =	vst v63  }
0x51: {  	_ =	swait.ge [sflag:s18], $0x2800  }
0x52: {  	[sflag:s18] =	ssyncset.done $0x0  }
0x53: {  	[sflag:s18] =	ssyncadd.s32 $0xFFFFD800  }
0x54: {  	v1 =	vld [tilespmem:s29+$0x2780];
	_ =	sdelay $0x4  }
0x55: {  	[tilespmem:$0x7680] =	vst v1  }
0x56: {  	v1 =	vld [tilespmem:s29+$0x2790];
	_ =	sdelay $0x4  }
0x57: {  	[tilespmem:$0x7690] =	vst v1  }
0x58: {  	v1 =	vld [tilespmem:s29+$0x27A0];
	_ =	sdelay $0x4  }
0x59: {  	[tilespmem:$0x76A0] =	vst v1  }
0x5a: {  	v1 =	vld [tilespmem:s29+$0x27B0];
	_ =	sdelay $0x4  }
0x5b: {  	[tilespmem:$0x76B0] =	vst v1  }
0x5c: {  	v1 =	vld [tilespmem:s29+$0x27C0];
	_ =	sdelay $0x2  }
0x5d: {  	s29 =	sadd.s32 $0x0, s26  }
0x5e: {  	v2 =	vmov s29  }
0x5f: {  	s29 =	simm.s32 $0x7740;
	[tilespmem:$0x76C0] =	vst v1  }
0x60: {  	v5 =	vld [tilespmem:s29+$0x30]  }
0x61: {  	v8 =	vld [tilespmem:s29+$0x10]  }
0x62: {  	v6 =	vld [tilespmem:s29+$0xFFFFFFC0]  }
0x63: {  	v2 =	vld.idx.msk [tilespmem:v2+s20+$0x0], $0xffff  }
0x64: {  	v10 =	vld [tilespmem:s29+$0xFFFFFFE0]  }
0x65: {  	v1 =	vld [tilespmem:s29+$0xFFFFFFF0]  }
0x66: {  	v3 =	vld [tilespmem:s29+$0x20]  }
0x67: {  	v4 =	vld [tilespmem:s29+$0xFFFFFFD0]  }
0x68: {  	v9 =	vmul.f32 v5, v2;
	v5 =	vld [tilespmem:s29+$0x0]  }
0x69: {  	v7 =	vmul.f32 v6, v2  }
0x6a: {  	s30 =	simm.s32 $0x1;
	s31 =	simm.s32 $0x7740;
	v6 =	vmul.f32 v10, v2;
	v8 =	vmul.f32 v8, v2  }
.LBB2_5:
0x6b: {  	p0 =	sne.s32 s30, $0x4F  }
0x6c: {  	v4 =	vmul.f32 v4, v2;
	v3 =	vmul.f32 v3, v2;
	[tilespmem:s29+$0x30] =	vst v9;
	s31 =	sadd.s32 $0x80, s31;
	s0 =	smov.u32 s30;
	s30 =	sadd.s32 $0x1, s30  }
0x6d: {  	[tilespmem:s29+$0xFFFFFFC0] =	vst v7;
	v7 =	vmul.f32 v1, v2;
	v2 =	vmul.f32 v5, v2  }
0x6e: {  	s0 =	sadd.s32 s0, s26;
	[tilespmem:s29+$0x10] =	vst v8  }
0x6f: {  	v5 =	vmov s0;
	[tilespmem:s29+$0xFFFFFFE0] =	vst v6  }
0x70: {  	v1 =	vld [tilespmem:s31+$0xFFFFFFF0];
	[tilespmem:s29+$0xFFFFFFF0] =	vst v7  }
0x71: {  	v6 =	vld [tilespmem:s31+$0x30];
	[tilespmem:s29+$0x0] =	vst v2  }
0x72: {  	v8 =	vld [tilespmem:s31+$0x10];
	[tilespmem:s29+$0x20] =	vst v3  }
0x73: {  	v7 =	vld [tilespmem:s31+$0xFFFFFFC0];
	[tilespmem:s29+$0xFFFFFFD0] =	vst v4;
	s29 =	smov.u32 s31  }
0x74: {  	v2 =	vld.idx.msk [tilespmem:v5+s20+$0x0], $0xffff  }
0x75: {  	v10 =	vld [tilespmem:s31+$0xFFFFFFE0]  }
0x76: {  	v3 =	vld [tilespmem:s31+$0x20]  }
.Ltmp1:
0x77: {  	v4 =	vld [tilespmem:s31+$0xFFFFFFD0];
	(pc) =	sbr.rel @p0 .LBB2_5-.Ltmp1, $3  }
0x78: {  	v5 =	vld [tilespmem:s31+$0x0];
	_ =	sdelay $0x1  }
0x79: {  	v7 =	vmul.f32 v7, v2;
	v9 =	vmul.f32 v6, v2  }
0x7a: {  	v8 =	vmul.f32 v8, v2;
	v6 =	vmul.f32 v10, v2  }
0x7b: {  	[tilespmem:s29+$0x30] =	vst v9  }
0x7c: {  	[tilespmem:s29+$0xFFFFFFC0] =	vst v7  }
0x7d: {  	v1 =	vmul.f32 v1, v2;
	[tilespmem:s29+$0x10] =	vst v8  }
0x7e: {  	v3 =	vmul.f32 v3, v2;
	[tilespmem:s29+$0xFFFFFFE0] =	vst v6  }
0x7f: {  	v5 =	vmul.f32 v5, v2;
	[tilespmem:s29+$0xFFFFFFF0] =	vst v1  }
0x80: {  	s28 =	sadd.s32 $0x1, s28;
	v1 =	vmul.f32 v4, v2;
	[tilespmem:s29+$0x20] =	vst v3  }
0x81: {  	p0 =	sne.s32 s28, $0x7D;
	[tilespmem:s29+$0x0] =	vst v5  }
.Ltmp2:
0x82: {  	[tilespmem:s29+$0xFFFFFFD0] =	vst v1;
	(pc) =	sbr.rel @p0 .LBB2_4-.Ltmp2, $4  }
0x83: {  	[spmem:s3] =	stream.indirect.scatter.add.f32 [tilespmem:s21], [sflag:$0x1], $0x80, s23, s22, $0xb8;
	[tilespmem:$0x1DF00] =	vst v63  }
0x84: {  	_ =	swait.ge [sflag:s18], $0x2800  }
0x85: {  	[sflag:s18] =	ssyncset.done $0x0  }
0x86: {  	s26 =	sadd.s32 $0x50, s26;
	[sflag:s18] =	ssyncadd.s32 $0xFFFFD800  }
0x87: {  	s25 =	sadd.s32 $0x1, s25  }
0x88: {  	p0 =	sne.s32 s25, s17  }
.Ltmp3:
0x89: {  	[bflag:$0x0] =	sbarrier.arrive $0xFFFF;
	s0 =	sshrl.u32 s8, $0x3;
	(pc) =	sbr.rel @p0 .LBB2_1-.Ltmp3, $4  }
0x8a: {  	[hbm:s16], [sflag:s24] =	dma.local [spmem:s0], $0x2800  }
0x8b: {  	_ =	swait.ge [sflag:s18], $0x2800  }
0x8c: {  	[sflag:s18] =	ssyncset.done $0x0  }
0x8d: {  	[sflag:s18] =	ssyncadd.s32 $0xFFFFD800  }
0x8e: {  	_ =	sfence.sel $0x180000  }
0x8f: {  	[bflag:$0x0] =	sbarrier.arrive $0xFFFF  }
0x90: {  	_ =	strace $0x9000004D  }
0x91: {  	[bflag:$0x2] =	sbarrier.arrive $0xFFFF  }
0x92: {  	p0 =	sne.s32 s2, $0x0;
	s0 =	rddreg [dreg:$0x3]  }
0x93: {  	s0 =	sadd.s32 @!p0 $0x100000, s0  }
0x94: {  	[sflag:s0] =	ssyncadd.tile.s32 @!p0 $0x1;
	_ =	shalt  }
.Lfunc_end2:
_tile_overlayer_lowered:
.L_overlay_start_2:
0x95: {  	(tag) =	ssettag $0x2  }
0x96: {  	s0 =	rddreg [dreg:$0x0];
	s2 =	stileid.u32  }
0x97: {  	s1 =	rddreg [dreg:$0x1];
	p0 =	sne.s32 s2, $0x0  }
0x98: {  	s3 =	rddreg [dreg:$0x2];
	[bflag:$0x3] =	sbarrier.arrive $0xFFFF;
	s2 =	simm.s32 @!p0 $0x1C01  }
0x99: {  	[timem:s3], [sflag:s2] =	dma.local @!p0 [hbm:s0], s1  }
0x9a: {  	s0 =	simm.s32 @!p0 $0x1  }
0x9b: {  	_ =	swait.ge @!p0 [sflag:s0], s1  }
0x9c: {  	s1 =	ssub.s32 @!p0 $0x0, s1;
	[sflag:s0] =	ssyncset.done @!p0 $0x0  }
0x9d: {  	[sflag:s0] =	ssyncadd.s32 @!p0 s1  }
0x9e: {  	[bflag:$0x3] =	sbarrier.arrive $0xFFFF  }
0x9f: {  	_ =	shalt  }

// kernel: kernel.8.cloned.1.call-start
scs
__scs_entry_jumppad:
0x0: {  	(pc) =	sbr.rel $0x88, $3  }
0x1: {  	(tag) =	ssettag $0x0;
	lr =	simm.s32 $0x1  }
0x2: {  	[smem:$0x3F9A] =	sst lr;
	_ =	strace $0xD0000000  }
0x3: {  	_ = 	snop  }
0x4: {  	_ = 	snop  }
0x5: {  	_ = 	snop  }
0x6: {  	_ = 	snop  }
0x7: {  	_ = 	snop  }
__scs_overlays_trampoline_lowered:
0x8: {  	[smem:$0x3FA9] =	sst s0  }
0x9: {  	[smem:$0x3FAA] =	sst s1  }
0xa: {  	[smem:$0x3FAB] =	sst s2  }
0xb: {  	[smem:$0x3FAC] =	sst s3  }
0xc: {  	[smem:$0x3FAD] =	sst s4  }
0xd: {  	[smem:$0x3FAE] =	sst s5  }
0xe: {  	[smem:$0x3FAF] =	sst s6  }
0xf: {  	[smem:$0x3FB0] =	sst s7  }
0x10: {  	[smem:$0x3FB1] =	sst s8  }
0x11: {  	[smem:$0x3FB2] =	sst s9;
	s0 =	simm.s32 @!p0 $0x0  }
0x12: {  	s1 =	sld [smem:$0x3F98];
	s0 =	simm.s32 @p0 $0x1  }
0x13: {  	[smem:$0x3FB3] =	sst s0;
	s0 =	simm.s32 @!p1 $0x0  }
0x14: {  	s2 =	sld [smem:$0x3F97];
	s0 =	simm.s32 @p1 $0x1  }
0x15: {  	[smem:$0x3FB4] =	sst s0;
	s0 =	simm.s32 @!p2 $0x0  }
0x16: {  	s3 =	sld [smem:$0x3FDB];
	s0 =	simm.s32 @p2 $0x1  }
0x17: {  	s4 =	simm.s32 $0x1BF5;
	[smem:$0x3FB6] =	sst s0  }
0x18: {  	s0 =	sld [smem:$0x3F99];
	_ =	swait.ge [sflag:s4], $0x0  }
0x19: {  	s7 =	sld [smem:$0x3F9A]  }
0x1a: {  	s8 =	sadd.s32 $0xFFFFE003, lr  }
0x1b: {  	s9 =	sadd.s32 $0xFFFFFEF7, lr;
	s5 =	simm.s32 $0xFFFFFFFF;
	p2 =	slt.u32 s8, $0xFFFFF086  }
0x1c: {  	p1 =	slt.u32 s9, $0xF7A;
	s5 =	simm.s32 @!p2 $0x0  }
0x1d: {  	s5 =	simm.s32 @p1 $0x1;
	p0 =	seq.s32 s7, s2  }
0x1e: {  	s7 =	smul.u32 @!p0 $0xF7A, s2;
	p2 =	seq.s32 @!p0 s5, $0x0  }
0x1f: {  	s9 =	smul.u32 $0xF7A, s1;
	s8 =	simm.s32 @!p0 $0x1BF5;
	p2 =	por !p2, p0  }
0x20: {  	[sflag:s8] =	ssyncset.s32 @!p0 $0xFFFFF086;
	s6 =	sadd.s32 @!p0 s3, s7;
	s7 =	simm.s32 @!p0 $0x108  }
0x21: {  	s3 =	sadd.s32 s3, s9;
	s6 =	sadd.s32 @!p0 $0x88, s6;
	s7 =	simm.s32 @p2 $0x1082  }
0x22: {  	[simem:s7], [sflag:s8] =	dma.local @!p0 [hbm:s6], $0xF7A  }
0x23: {  	s9 =	sor.u32 $0xD0000000, s2;
	s6 =	simm.s32 $0x108;
	_ =	swait.ge @!p0 [sflag:s8], $0x0  }
0x24: {  	s3 =	sadd.s32 $0x88, s3;
	s6 =	simm.s32 @!p1 $0x1082;
	[sflag:s4] =	ssyncset.s32 $0xFFFFF086  }
0x25: {  	[simem:s6], [sflag:s4] =	dma.local [hbm:s3], $0xF7A  }
0x26: {  	[smem:$0x3F9A] =	sst s1;
	(tag) =	ssettag s2;
	_ =	strace s9  }
0x27: {  	s1 =	sld [smem:$0x3FAA]  }
0x28: {  	s2 =	sld [smem:$0x3FAB]  }
0x29: {  	s4 =	sld [smem:$0x3FAD]  }
0x2a: {  	p0 =	seq.s32 s5, $0x0;
	s5 =	sld [smem:$0x3FAE]  }
0x2b: {  	s6 =	sld [smem:$0x3FAF]  }
0x2c: {  	s7 =	sld [smem:$0x3FB0]  }
0x2d: {  	s3 =	simm.s32 $0x108;
	s8 =	sld [smem:$0x3FB1]  }
0x2e: {  	s3 =	simm.s32 @!p0 $0x1082;
	s9 =	sld [smem:$0x3FB2]  }
0x2f: {  	lr =	sadd.s32 s0, s3;
	s0 =	sld [smem:$0x3FA9]  }
0x30: {  	s3 =	sld [smem:$0x3FAC]  }
0x31: {  	[smem:$0x3FB5] =	sst s10  }
0x32: {  	s10 =	sld [smem:$0x3FB3];
	_ =	sdelay $0x3  }
0x33: {  	p0 =	seq.s32 s10, $0x1;
	s10 =	sld [smem:$0x3FB5];
	_ =	sdelay $0x3  }
0x34: {  	[smem:$0x3FB5] =	sst s10  }
0x35: {  	s10 =	sld [smem:$0x3FB4];
	_ =	sdelay $0x3  }
0x36: {  	p1 =	seq.s32 s10, $0x1;
	s10 =	sld [smem:$0x3FB5];
	_ =	sdelay $0x3  }
0x37: {  	[smem:$0x3FB5] =	sst s10  }
0x38: {  	s10 =	sld [smem:$0x3FB6]  }
0x39: {  	_ = 	snop;
	(pc) =	sbr.ind lr, $3  }
0x3a: {  	_ = 	snop  }
0x3b: {  	_ = 	snop  }
0x3c: {  	p2 =	seq.s32 s10, $0x1;
	s10 =	sld [smem:$0x3FB5]  }
0x3d: {  	_ =	shalt  }
0x3e: {  	_ =	shalt  }
0x3f: {  	_ =	shalt  }
0x40: {  	_ =	shalt  }
0x41: {  	_ =	shalt  }
0x42: {  	_ =	shalt  }
0x43: {  	_ =	shalt  }
0x44: {  	_ =	shalt  }
0x45: {  	_ =	shalt  }
0x46: {  	_ =	shalt  }
0x47: {  	_ =	shalt  }
0x48: {  	_ =	shalt  }
0x49: {  	_ =	shalt  }
0x4a: {  	_ =	shalt  }
0x4b: {  	_ =	shalt  }
0x4c: {  	_ =	shalt  }
0x4d: {  	_ =	shalt  }
0x4e: {  	_ =	shalt  }
0x4f: {  	_ =	shalt  }
0x50: {  	_ =	shalt  }
0x51: {  	_ =	shalt  }
0x52: {  	_ =	shalt  }
0x53: {  	_ =	shalt  }
0x54: {  	_ =	shalt  }
0x55: {  	_ =	shalt  }
0x56: {  	_ =	shalt  }
0x57: {  	_ =	shalt  }
0x58: {  	_ =	shalt  }
0x59: {  	_ =	shalt  }
0x5a: {  	_ =	shalt  }
0x5b: {  	_ =	shalt  }
0x5c: {  	_ =	shalt  }
0x5d: {  	_ =	shalt  }
0x5e: {  	_ =	shalt  }
0x5f: {  	_ =	shalt  }
0x60: {  	_ =	shalt  }
0x61: {  	_ =	shalt  }
0x62: {  	_ =	shalt  }
0x63: {  	_ =	shalt  }
0x64: {  	_ =	shalt  }
0x65: {  	_ =	shalt  }
0x66: {  	_ =	shalt  }
0x67: {  	_ =	shalt  }
0x68: {  	_ =	shalt  }
0x69: {  	_ =	shalt  }
0x6a: {  	_ =	shalt  }
0x6b: {  	_ =	shalt  }
0x6c: {  	_ =	shalt  }
0x6d: {  	_ =	shalt  }
0x6e: {  	_ =	shalt  }
0x6f: {  	_ =	shalt  }
0x70: {  	_ =	shalt  }
0x71: {  	_ =	shalt  }
0x72: {  	_ =	shalt  }
0x73: {  	_ =	shalt  }
0x74: {  	_ =	shalt  }
0x75: {  	_ =	shalt  }
0x76: {  	_ =	shalt  }
0x77: {  	_ =	shalt  }
0x78: {  	_ =	shalt  }
0x79: {  	_ =	shalt  }
0x7a: {  	_ =	shalt  }
0x7b: {  	_ =	shalt  }
0x7c: {  	_ =	shalt  }
0x7d: {  	_ =	shalt  }
0x7e: {  	_ =	shalt  }
0x7f: {  	_ =	shalt  }
0x80: {  	_ =	shalt  }
0x81: {  	_ =	shalt  }
0x82: {  	_ =	shalt  }
0x83: {  	_ =	shalt  }
0x84: {  	_ =	shalt  }
0x85: {  	_ =	shalt  }
0x86: {  	_ =	shalt  }
0x87: {  	_ =	shalt  }
.Lfunc_end0:
.L_simem_size_0:
called_computation_lowered:
.L_overlay_start_0:
0x88: {  	s2 =	sld [smem:$0x3FD9]  }
0x89: {  	s3 =	sld [smem:$0x3FFE];
	_ =	sdelay $0x1  }
0x8a: {  	s1 =	srdreg.scid  }
0x8b: {  	s0 =	sand.u32 $0x1, s1  }
0x8c: {  	s17 =	sshll.u32 s0, $0xA;
	s2 =	sadd.s32 s3, s2  }
0x8d: {  	s2 =	sadd.s32 s2, s17  }
0x8e: {  	[smem:$0x3FC1] =	sst s2  }
0x8f: {  	_ = 	snop  }
0x90: {  	s2 =	sld [smem:$0x3FC7];
	(tm) =	ssettm $0x1  }
0x91: {  	s18 =	sld [smem:$0x3FFB];
	_ =	sdelay $0x3  }
0x92: {  	_ =	strace s18  }
0x93: {  	s3 =	sld [smem:$0x3FFC];
	_ =	sdelay $0x3  }
0x94: {  	_ =	strace s3  }
0x95: {  	s3 =	sld [smem:$0x3FFD];
	_ =	sdelay $0x3  }
0x96: {  	_ =	strace s3  }
0x97: {  	_ =	strace $0x8FFFFFFF  }
0x98: {  	s19 =	sld [smem:$0x3FDB];
	_ =	sdelay $0x1  }
0x99: {  	s4 =	simm.s32 $_scs_section_size  }
0x9a: {  	s5 =	simm.s32 $_size__tile_overlayer_lowered;
	s6 =	simm.s32 $_tile_overlayer_lowered  }
0x9b: {  	s22 =	simm.s32 $0x1BFF;
	s21 =	sshll.u32 s6, $0x1;
	s3 =	sadd.s32 s4, s19  }
0x9c: {  	s7 =	simm.s32 $0x0;
	s20 =	sshll.u32 s5, $0x1;
	s5 =	sadd.s32 s21, s3  }
0x9d: {  	[timem:s7], [sflag:s22] =	dma.local [hbm:s5], s20  }
0x9e: {  	_ =	swait.ge [sflag:s22], s20  }
0x9f: {  	s4 =	ssub.s32 $0x0, s20;
	[sflag:s22] =	ssyncset.done $0x0  }
0xa0: {  	[sflag:s22] =	ssyncadd.s32 s4;
	_ =	sdelay $0x1  }
0xa1: {  	s23 =	simm.s32 $0x1B8B  }
0xa2: {  	_ =	swait.ge [sflag:s23], $0x1  }
0xa3: {  	[sflag:s23] =	ssyncset.done $0x0  }
0xa4: {  	s25 =	simm.s32 $0x1B8E;
	s24 =	sld [smem:$0x3FFE];
	[sflag:s23] =	ssyncadd.s32 $0xFFFFFFFF  }
0xa5: {  	s26 =	simm.s32 $execute0_lowered;
	[smem:$0x3FD2] =	sst s25  }
0xa6: {  	s5 =	sshll.u32 s26, $0x1;
	_ =	strace $0x80000046;
	[dreg:$0x1] =	wrdreg $0xFFFFFFFF  }
0xa7: {  	s28 =	simm.s32 $_size_execute0_lowered;
	s3 =	sadd.s32 s3, s5;
	[dreg:$0x0] =	wrdreg $0x0  }
0xa8: {  	s5 =	sshll.u32 s28, $0x1;
	[dreg:$0x2] =	wrdreg s3  }
0xa9: {  	[dreg:$0x3] =	wrdreg s5  }
0xaa: {  	[dreg:$0x4] =	wrdreg $0xC0  }
0xab: {  	_ =	task [dreg:s7], $0x5FFFF  }
0xac: {  	[dreg:$0x1] =	wrdreg $0xFFFFFFFF  }
0xad: {  	[dreg:$0x0] =	wrdreg $0x60  }
0xae: {  	[dreg:$0x2] =	wrdreg s2  }
0xaf: {  	[dreg:$0x3] =	wrdreg s24  }
0xb0: {  	[dreg:$0x4] =	wrdreg $0x116800  }
0xb1: {  	[dreg:$0x5] =	wrdreg $0x9  }
0xb2: {  	_ =	task.clear_ibuf [dreg:s7], $0x6FFFF;
	_ =	strace $0x90000046  }
0xb3: {  	s29 =	simm.s32 $0x9;
	_ =	strace $0x80000048  }
0xb4: {  	_ =	swait.ge [sflag:s29], $0x1  }
0xb5: {  	[sflag:s29] =	ssyncadd.s32 $0xFFFFFFFF  }
0xb6: {  	_ =	strace $0x90000048  }
0xb7: {  	_ =	sfence  }
0xb8: {  	s30 =	sld [smem:$0x0];
	_ =	sdelay $0x2  }
0xb9: {  	s31 =	sshll.u32 s1, $0xD;
	s1 =	sshrl.u32 s1, $0x2  }
0xba: {  	s3 =	sand.u32 $0x4000, s31;
	s1 =	sadd.s32 s1, s30  }
0xbb: {  	s0 =	sor.u32 s3, s0;
	s1 =	sshll.u32 s1, $0x11  }
0xbc: {  	s0 =	sor.u32 s1, s0  }
0xbd: {  	s0 =	sadd.s32 $0x8F2B, s0  }
0xbe: {  	[sflag:s0] =	ssyncadd.remote.s32 $0x1  }
0xbf: {  	_ =	sfence.sel $0xFFFF  }
0xc0: {  	[dreg:$0x0] =	wrdreg $0xFFFFFFFF;
	(pc) =	sbr.abs _section_cstart, $3  }
0xc1: {  	[dreg:$0x1] =	wrdreg $0xFFFFFFFF  }
0xc2: {  	_ =	task.clear_ibuf [dreg:s7], $0x2FFFF;
	_ =	strace $0x9FFFFFFF  }
0xc3: {  	(tm) =	ssettm $0x7FFFFFFF  }
tec
execute0_lowered:
.L_overlay_start_1:
0x0: {  	(tag) =	ssettag $0x1  }
0x1: {  	s4 =	rddreg [dreg:$0x0]  }
0x2: {  	s5 =	rddreg [dreg:$0x1]  }
0x3: {  	s2 =	rddreg [dreg:$0x2]  }
0x4: {  	s0 =	rddreg [dreg:$0x3]  }
0x5: {  	s1 =	stileid.u32;
	s6 =	srdreg.scid  }
0x6: {  	s3 =	simm.s32 $0x0;
	s11 =	simm.s32 $0x11380;
	s12 =	simm.s32 $0x50  }
0x7: {  	s13 =	simm.s32 $0x11600;
	s14 =	simm.s32 $0xEB80;
	s7 =	smul.u32 $0x9C4, s1  }
0x8: {  	s15 =	sand.u32 $0x1, s6;
	[smem:$0x7FF] =	sst s3;
	s8 =	smul.u32 $0xA00, s1  }
0x9: {  	s6 =	ssub.s32 $0x2, s15;
	_ =	strace $0x80000047;
	p0 =	sne.s32 s15, $0x0  }
0xa: {  	s15 =	simm.s32 $0x0;
	s9 =	sadd.s32 s7, s5;
	s30 =	sshrl.u32 s6, $0x1  }
0xb: {  	s4 =	sadd.s32 s4, s7;
	s31 =	sshrl.u32 s8, $0x2;
	s10 =	ssub.s32 s6, s30  }
0xc: {  	s5 =	sadd.s32 $0x2600, s9;
	s6 =	sadd.s32 s31, s2;
	s7 =	sadd.s32 $0x16200, s9  }
0xd: {  	v0 =	vimm.f32 $0.0e+00;
	s9 =	simm.s32 $0x1;
	s8 =	smax.u32 s10, $0x1;
	s10 =	simm.s32 $0x4E80  }
.LBB2_1:
0xe: {  	[tilespmem:s3], [sflag:$0x1] =	stream.linear.gather [hbm4b:s4+s3], $0x4E20, $0x38;
	[tilespmem:$0x11900] =	vst v63  }
0xf: {  	_ =	swait.ge [sflag:s9], $0x4E20  }
0x10: {  	[sflag:s9] =	ssyncset.done $0x0  }
0x11: {  	[sflag:s9] =	ssyncadd.s32 $0xFFFFB1E0  }
0x12: {  	[tilespmem:s10], [sflag:$0x1] =	stream.linear.gather [hbm4b:s5+s3], $0x4E20, $0x38;
	[tilespmem:$0x11900] =	vst v63  }
0x13: {  	_ =	swait.ge [sflag:s9], $0x4E20  }
0x14: {  	[sflag:s9] =	ssyncset.done $0x0  }
0x15: {  	s16 =	simm.s32 $0x0;
	s17 =	simm.s32 $0x40;
	[sflag:s9] =	ssyncadd.s32 $0xFFFFB1E0  }
.LBB2_2:
0x16: {  	p1 =	sne.s32 s17, $0x13840;
	v1 =	vld [tilespmem:s16+$0x0];
	_ =	sdelay $0x4  }
0x17: {  	v1 =	vmul.f32 $1.442695020e+00, v1;
	_ =	sdelay $0x1  }
0x18: {  	(erf) = vpow2.f32 v1;
	_ =	sdelay $0x5  }
.Ltmp0:
0x19: {  	(pc) =	sbr.rel @p1 .LBB2_2-.Ltmp0, $3  }
0x1a: {  	_ =	sdelay $0x1  }
0x1b: {  	v1 =	vpop (erf)  }
0x1c: {  	[tilespmem:s16+$0x0] =	vst v1;
	s16 =	sshra.s32 s17, $0x2;
	s17 =	sadd.s32 $0x40, s17  }
0x1d: {  	v1 =	vld [tilespmem:s16+$0x0];
	_ =	sdelay $0x4  }
0x1e: {  	v1 =	vmul.f32 $1.442695020e+00, v1;
	_ =	sdelay $0x1  }
0x1f: {  	(erf) = vpow2.f32 v1;
	_ =	sdelay $0x8  }
0x20: {  	v1 =	vpop (erf)  }
0x21: {  	[tilespmem:s16+$0x0] =	vst v1  }
0x22: {  	[tilespmem:$0x11380] =	vst v0  }
0x23: {  	[tilespmem:$0x11390] =	vst v0  }
0x24: {  	[tilespmem:$0x113A0] =	vst v0  }
0x25: {  	[tilespmem:$0x113B0] =	vst v0  }
0x26: {  	[tilespmem:$0x113C0] =	vst v0  }
0x27: {  	[tilespmem:$0x113D0] =	vst v0  }
0x28: {  	[tilespmem:$0x113E0] =	vst v0  }
0x29: {  	[tilespmem:$0x113F0] =	vst v0  }
0x2a: {  	[tilespmem:$0x11400] =	vst v0  }
0x2b: {  	[tilespmem:$0x11410] =	vst v0  }
0x2c: {  	[tilespmem:$0x11420] =	vst v0  }
0x2d: {  	[tilespmem:$0x11430] =	vst v0  }
0x2e: {  	[tilespmem:$0x11440] =	vst v0  }
0x2f: {  	[tilespmem:$0x11450] =	vst v0  }
0x30: {  	[tilespmem:$0x11460] =	vst v0  }
0x31: {  	[tilespmem:$0x11470] =	vst v0  }
0x32: {  	[tilespmem:$0x11480] =	vst v0  }
0x33: {  	[tilespmem:$0x11490] =	vst v0  }
0x34: {  	[tilespmem:$0x114A0] =	vst v0  }
0x35: {  	[tilespmem:$0x114B0] =	vst v0  }
0x36: {  	[tilespmem:$0x114C0] =	vst v0  }
0x37: {  	[tilespmem:$0x114D0] =	vst v0  }
0x38: {  	[tilespmem:$0x114E0] =	vst v0  }
0x39: {  	[tilespmem:$0x114F0] =	vst v0  }
0x3a: {  	[tilespmem:$0x11500] =	vst v0  }
0x3b: {  	[tilespmem:$0x11510] =	vst v0  }
0x3c: {  	[tilespmem:$0x11520] =	vst v0  }
0x3d: {  	[tilespmem:$0x11530] =	vst v0  }
0x3e: {  	[tilespmem:$0x11540] =	vst v0  }
0x3f: {  	[tilespmem:$0x11550] =	vst v0  }
0x40: {  	[tilespmem:$0x11560] =	vst v0  }
0x41: {  	[tilespmem:$0x11570] =	vst v0  }
0x42: {  	[tilespmem:$0x11580] =	vst v0  }
0x43: {  	[tilespmem:$0x11590] =	vst v0  }
0x44: {  	[tilespmem:$0x115A0] =	vst v0  }
0x45: {  	[tilespmem:$0x115B0] =	vst v0  }
0x46: {  	[tilespmem:$0x115C0] =	vst v0  }
0x47: {  	[tilespmem:$0x115D0] =	vst v0  }
0x48: {  	[tilespmem:$0x115E0] =	vst v0  }
0x49: {  	[tilespmem:$0x115F0] =	vst v0  }
0x4a: {  	[spmem:s6] =	stream.linear.scatter [tilespmem:s11], [sflag:$0x1], $0x280, $0x38;
	[tilespmem:$0x11900] =	vst v63  }
0x4b: {  	_ =	swait.ge [sflag:s9], $0x280  }
0x4c: {  	[sflag:s9] =	ssyncset.done $0x0  }
0x4d: {  	[sflag:s9] =	ssyncadd.s32 $0xFFFFFD80  }
0x4e: {  	s31 =	simm.s32 $0x0;
	[bflag:$0x0] =	sbarrier.arrive $0xFFFF  }
0x4f: {  	v1 =	vld [tilespmem:s31+$0x4E80];
	_ =	sdelay $0x4  }
0x50: {  	[tilespmem:$0x11600] =	vst v1  }
0x51: {  	v1 =	vld [tilespmem:s31+$0x4E90];
	_ =	sdelay $0x4  }
0x52: {  	[tilespmem:$0x11610] =	vst v1  }
0x53: {  	v1 =	vld [tilespmem:s31+$0x4EA0];
	_ =	sdelay $0x4  }
0x54: {  	[tilespmem:$0x11620] =	vst v1  }
0x55: {  	v1 =	vld [tilespmem:s31+$0x4EB0];
	_ =	sdelay $0x4  }
0x56: {  	[tilespmem:$0x11630] =	vst v1  }
0x57: {  	v1 =	vld [tilespmem:s31+$0x4EC0];
	_ =	sdelay $0x4  }
0x58: {  	[tilespmem:$0x11640] =	vst v1  }
0x59: {  	[spmem:s2] =	stream.indirect.scatter.add.f32 [tilespmem:s31], [sflag:$0x1], $0x1, s13, s12, $0xb8;
	[tilespmem:$0x11900] =	vst v63  }
0x5a: {  	_ =	swait.ge [sflag:s9], $0x50  }
0x5b: {  	s17 =	simm.s32 $0x280;
	s16 =	simm.s32 $0x140;
	[sflag:s9] =	ssyncset.done $0x0  }
.LBB2_4:
0x5c: {  	s18 =	sshra.s32 s16, $0x2  }
0x5d: {  	[sflag:s9] =	ssyncadd.s32 $0xFFFFFFB0;
	s16 =	smov.u32 s17;
	s19 =	sadd.s32 $0x140, s17  }
0x5e: {  	p1 =	sne.s32 s17, $0x13740;
	v1 =	vld [tilespmem:s18+$0x4E80];
	_ =	sdelay $0x4  }
0x5f: {  	[tilespmem:$0x11600] =	vst v1  }
0x60: {  	v1 =	vld [tilespmem:s18+$0x4E90];
	_ =	sdelay $0x4  }
0x61: {  	[tilespmem:$0x11610] =	vst v1  }
0x62: {  	v1 =	vld [tilespmem:s18+$0x4EA0];
	_ =	sdelay $0x4  }
0x63: {  	[tilespmem:$0x11620] =	vst v1  }
0x64: {  	v1 =	vld [tilespmem:s18+$0x4EB0];
	_ =	sdelay $0x4  }
0x65: {  	[tilespmem:$0x11630] =	vst v1  }
0x66: {  	v1 =	vld [tilespmem:s18+$0x4EC0];
	_ =	sdelay $0x3  }
.Ltmp1:
0x67: {  	(pc) =	sbr.rel @p1 .LBB2_4-.Ltmp1, $4  }
0x68: {  	[tilespmem:$0x11640] =	vst v1  }
0x69: {  	[spmem:s2] =	stream.indirect.scatter.add.f32 [tilespmem:s18], [sflag:$0x1], $0x1, s13, s12, $0xb8;
	[tilespmem:$0x11900] =	vst v63  }
0x6a: {  	_ =	swait.ge [sflag:s9], $0x50  }
0x6b: {  	s17 =	smov.u32 s19;
	[sflag:s9] =	ssyncset.done $0x0  }
0x6c: {  	s16 =	sshra.s32 s16, $0x2;
	[sflag:s9] =	ssyncadd.s32 $0xFFFFFFB0  }
0x6d: {  	v1 =	vld [tilespmem:s16+$0x4E80];
	_ =	sdelay $0x4  }
0x6e: {  	[tilespmem:$0x11600] =	vst v1  }
0x6f: {  	v1 =	vld [tilespmem:s16+$0x4E90];
	_ =	sdelay $0x4  }
0x70: {  	[tilespmem:$0x11610] =	vst v1  }
0x71: {  	v1 =	vld [tilespmem:s16+$0x4EA0];
	_ =	sdelay $0x4  }
0x72: {  	[tilespmem:$0x11620] =	vst v1  }
0x73: {  	v1 =	vld [tilespmem:s16+$0x4EB0];
	_ =	sdelay $0x4  }
0x74: {  	[tilespmem:$0x11630] =	vst v1  }
0x75: {  	v1 =	vld [tilespmem:s16+$0x4EC0];
	_ =	sdelay $0x4  }
0x76: {  	[tilespmem:$0x11640] =	vst v1  }
0x77: {  	[spmem:s2] =	stream.indirect.scatter.add.f32 [tilespmem:s16], [sflag:$0x1], $0x1, s13, s12, $0xb8;
	[tilespmem:$0x11900] =	vst v63  }
0x78: {  	_ =	swait.ge [sflag:s9], $0x50  }
0x79: {  	[sflag:s9] =	ssyncset.done $0x0  }
0x7a: {  	[sflag:s9] =	ssyncadd.s32 $0xFFFFFFB0  }
0x7b: {  	[bflag:$0x0] =	sbarrier.arrive $0xFFFF  }
0x7c: {  	[tilespmem:s14], [sflag:$0x1] =	stream.linear.gather [spmem:s2], $0x2800, $0x38;
	[tilespmem:$0x11900] =	vst v63  }
0x7d: {  	_ =	swait.ge [sflag:s9], $0x2800  }
0x7e: {  	[sflag:s9] =	ssyncset.done $0x0  }
0x7f: {  	s16 =	simm.s32 $0x0;
	[sflag:s9] =	ssyncadd.s32 $0xFFFFD800  }
0x80: {  	v1 =	vld [tilespmem:s16+$0x4E80];
	_ =	sdelay $0x7  }
0x81: {  	v1 =	vld.idx.msk [tilespmem:v1+s14+$0x0], $0xffff;
	_ =	sdelay $0x4  }
0x82: {  	(erf) = vrcp.f32 v1;
	_ =	sdelay $0x3  }
0x83: {  	s18 =	simm.s32 $0x10;
	s17 =	simm.s32 $0x80;
	v1 =	vld [tilespmem:s16+$0x0]  }
.LBB2_6:
0x84: {  	p1 =	sne.s32 s17, $0x13840;
	v2 =	vld [tilespmem:s18+$0x4E80];
	_ =	sdelay $0x3  }
0x85: {  	v3 =	vpop (erf)  }
0x86: {  	v1 =	vmul.f32 v3, v1;
	_ =	sdelay $0x1  }
0x87: {  	[tilespmem:s16+$0x9D00] =	vst v1;
	s16 =	smov.u32 s18  }
0x88: {  	v1 =	vld.idx.msk [tilespmem:v2+s14+$0x0], $0xffff;
	_ =	sdelay $0x5  }
.Ltmp2:
0x89: {  	(erf) = vrcp.f32 v1;
	(pc) =	sbr.rel @p1 .LBB2_6-.Ltmp2, $2  }
0x8a: {  	_ =	sdelay $0x2  }
0x8b: {  	s18 =	sshra.s32 s17, $0x2;
	s17 =	sadd.s32 $0x40, s17;
	v1 =	vld [tilespmem:s16+$0x0]  }
0x8c: {  	v2 =	vld [tilespmem:s18+$0x4E80];
	_ =	sdelay $0x3  }
0x8d: {  	v3 =	vpop (erf)  }
0x8e: {  	v1 =	vmul.f32 v3, v1;
	_ =	sdelay $0x1  }
0x8f: {  	[tilespmem:s16+$0x9D00] =	vst v1  }
0x90: {  	v1 =	vld.idx.msk [tilespmem:v2+s14+$0x0], $0xffff;
	_ =	sdelay $0x4  }
0x91: {  	(erf) = vrcp.f32 v1;
	_ =	sdelay $0x4  }
0x92: {  	v1 =	vld [tilespmem:s18+$0x0];
	_ =	sdelay $0x3  }
0x93: {  	v2 =	vpop (erf)  }
0x94: {  	v1 =	vmul.f32 v2, v1  }
0x95: {  	s15 =	sadd.s32 $0x1, s15  }
0x96: {  	s17 =	simm.s32 @!p0 $0x9D00;
	p1 =	sne.s32 s15, s8;
	s16 =	simm.s32 @!p0 $0x0;
	[tilespmem:s18+$0x9D00] =	vst v1  }
0x97: {  	[hbm4b:s7+s16] =	stream.linear.scatter @!p0 [tilespmem:s17], [sflag:$0x1], $0x4E20, $0x38;
	[tilespmem:$0x11900] =	vst v63  }
.Ltmp3:
0x98: {  	_ = 	snop;
	(pc) =	sbr.rel @p1 .LBB2_1-.Ltmp3, $4  }
0x99: {  	s16 =	simm.s32 @!p0 $0x1  }
0x9a: {  	_ =	swait.ge @!p0 [sflag:s16], $0x4E20  }
0x9b: {  	[sflag:s16] =	ssyncset.done @!p0 $0x0  }
0x9c: {  	[sflag:s16] =	ssyncadd.s32 @!p0 $0xFFFFB1E0  }
0x9d: {  	_ =	sfence.sel $0x180000  }
0x9e: {  	[bflag:$0x0] =	sbarrier.arrive $0xFFFF  }
0x9f: {  	p0 =	sne.s32 s1, $0x0;
	_ =	strace $0x90000047  }
0xa0: {  	s0 =	sadd.s32 @!p0 $0x100000, s0;
	[bflag:$0x2] =	sbarrier.arrive $0xFFFF  }
0xa1: {  	[sflag:s0] =	ssyncadd.tile.s32 @!p0 $0x1;
	_ =	shalt  }
.Lfunc_end2:
_tile_overlayer_lowered:
.L_overlay_start_2:
0xa2: {  	(tag) =	ssettag $0x2  }
0xa3: {  	s0 =	rddreg [dreg:$0x0];
	s2 =	stileid.u32  }
0xa4: {  	s1 =	rddreg [dreg:$0x1];
	p0 =	sne.s32 s2, $0x0  }
0xa5: {  	s3 =	rddreg [dreg:$0x2];
	[bflag:$0x3] =	sbarrier.arrive $0xFFFF;
	s2 =	simm.s32 @!p0 $0x1C01  }
0xa6: {  	[timem:s3], [sflag:s2] =	dma.local @!p0 [hbm:s0], s1  }
0xa7: {  	s0 =	simm.s32 @!p0 $0x1  }
0xa8: {  	_ =	swait.ge @!p0 [sflag:s0], s1  }
0xa9: {  	s1 =	ssub.s32 @!p0 $0x0, s1;
	[sflag:s0] =	ssyncset.done @!p0 $0x0  }
0xaa: {  	[sflag:s0] =	ssyncadd.s32 @!p0 s1  }
0xab: {  	[bflag:$0x3] =	sbarrier.arrive $0xFFFF  }
0xac: {  	_ =	shalt  }

</sc_bundles>
